<compile_context>
chip_gen: v7x
topology: tpu7x:2x2x1
jax: 0.10.2.dev20260603
libtpu: 0.0.44.dev20260713+nightly
codegen_flags: <defaults>
</compile_context>

<pallas_src>
import functools

import jax
import jax.numpy as jnp
from jax import lax
from jax.experimental import pallas as pl
from jax.experimental.pallas import tpu as pltpu
from jax.experimental.pallas import tpu_sc as plsc

B, T, D = 4, 4096, 768
N = B * T
NC, NS, L = 2, 16, 16
NW = NC * NS
RPW = N // NW
NG = RPW // L
R = 9
K = 7


def _sc_body(x_hbm, m_hbm, emb_hbm, out_hbm,
             mask_v, midx_v, uidx_v, emb16_v, buf_v,
             sem_m, sem_g, sem_s):
    wid = lax.axis_index("s") * NC + lax.axis_index("c")
    base = wid * RPW
    iota = lax.iota(jnp.int32, L)
    zero_v = jnp.zeros((L,), jnp.int32)

    cp1 = pltpu.async_copy(m_hbm.at[pl.ds(base, RPW)], mask_v, sem_g)
    cp2 = pltpu.async_copy(emb_hbm, emb16_v, sem_m)
    cp1.wait()
    cp2.wait()

    def buf_slot(c):
        return buf_v.at[pl.ds((c % R) * L, L)]

    def drain_g():
        pltpu.make_async_copy(
            x_hbm.at[pl.ds(0, L)], buf_v.at[pl.ds(0, L)], sem_g).wait()

    def drain_s():
        pltpu.make_async_copy(
            buf_v.at[pl.ds(0, L)], out_hbm.at[pl.ds(0, L)], sem_s).wait()

    def drain_m():
        pltpu.make_async_copy(
            emb16_v, out_hbm.at[pl.ds(0, L)], sem_m).wait()

    def flush_u(c):
        idx_vec = uidx_v[pl.ds(c * L, L)]

        @pl.when(c >= R)
        def _():
            drain_s()

        pltpu.async_copy(x_hbm.at[idx_vec], buf_slot(c), sem_g)

        @pl.when(c >= K)
        def _():
            drain_g()
            iv = uidx_v[pl.ds((c - K) * L, L)]
            pltpu.async_copy(buf_slot(c - K), out_hbm.at[iv], sem_s)

    def group(g, carry):
        mc0, uc0 = carry
        mv = mask_v[pl.ds(g * L, L)]
        mb = jnp.where(mv != 0, jnp.int32(1), jnp.int32(0))
        idx0 = base + g * L
        cml = zero_v
        cul = zero_v
        pm = jnp.int32(0)
        pu = jnp.int32(0)
        for i in range(L):
            ii = idx0 + i
            mi = mb[i]
            pe = pm * mi + (mi - 1) * 100
            cml = jnp.where(iota == pe, ii, cml)
            ui = 1 - mi
            qe = pu * ui + (ui - 1) * 100
            cul = jnp.where(iota == qe, ii, cul)
            pm = pm + mi
            pu = pu + ui
        midx_v[pl.ds(mc0, L)] = cml
        uidx_v[pl.ds(uc0, L)] = cul
        mc = mc0 + pm
        uc = uc0 + pu

        cm = (mc >> 4) - (mc0 >> 4)

        @pl.when(cm == 1)
        def _():
            iv = midx_v[pl.ds((mc0 >> 4) * L, L)]
            pltpu.async_copy(emb16_v, out_hbm.at[iv], sem_m)

        cu = (uc >> 4) - (uc0 >> 4)

        @pl.when(cu == 1)
        def _():
            flush_u(uc0 >> 4)

        return mc, uc

    mc, uc = lax.fori_loop(0, NG, group, (jnp.int32(0), jnp.int32(0)))

    rem_m = mc & (L - 1)

    @pl.when(rem_m != 0)
    def _():
        ch = midx_v[pl.ds((mc >> 4) * L, L)]
        padded = jnp.where(iota < rem_m, ch, ch[0])
        pltpu.async_copy(emb16_v, out_hbm.at[padded], sem_m)

    rem_u = uc & (L - 1)

    @pl.when(rem_u != 0)
    def _():
        ch = uidx_v[pl.ds((uc >> 4) * L, L)]
        padded = jnp.where(iota < rem_u, ch, ch[0])
        uidx_v[pl.ds((uc >> 4) * L, L)] = padded
        flush_u(uc >> 4)

    nu = (uc + L - 1) >> 4
    nm = (mc + L - 1) >> 4

    def tail(j, _):
        drain_g()
        iv = uidx_v[pl.ds(j * L, L)]
        pltpu.async_copy(buf_slot(j), out_hbm.at[iv], sem_s)
        return 0

    lax.fori_loop(jnp.maximum(nu - K, 0), nu, tail, 0)

    def sdrain(j, _):
        drain_s()
        return 0

    lax.fori_loop(0, jnp.minimum(nu, R), sdrain, 0)

    def mdrain(j, _):
        drain_m()
        return 0

    lax.fori_loop(0, nm, mdrain, 0)


_sc_masker = functools.partial(
    pl.kernel,
    out_type=jax.ShapeDtypeStruct((N, D), jnp.float32),
    mesh=plsc.VectorSubcoreMesh(
        core_axis_name="c", subcore_axis_name="s",
        num_cores=NC, num_subcores=NS),
    scratch_types=[
        pltpu.VMEM((RPW,), jnp.int32),
        pltpu.VMEM((RPW + L,), jnp.int32),
        pltpu.VMEM((RPW + L,), jnp.int32),
        pltpu.VMEM((L, D), jnp.float32),
        pltpu.VMEM((R * L, D), jnp.float32),
        pltpu.SemaphoreType.DMA,
        pltpu.SemaphoreType.DMA,
        pltpu.SemaphoreType.DMA,
    ],
)(_sc_body)


def kernel(x, mask, mask_emb):
    xf = x.reshape(N, D)
    mi = mask.reshape(N).astype(jnp.int32)
    emb16 = jnp.broadcast_to(mask_emb, (L, D))
    out = _sc_masker(xf, mi, emb16)
    return out.reshape(B, T, D)

# --- scband reference (transcript-rebuilt; emitter-appended) ---
"""Pipeline reference for scband-w2-v2-feature-masker-91044716741259 (READ-ONLY COPY).

The authoritative reference and input builder live on the scoring server;
editing this copy changes nothing except your own understanding.
"""

import jax, jax.numpy as jnp
import numpy as np

B, T, D = 4, 4096, 768

def setup_inputs(seed: int = 0) -> dict:
    key = jax.random.key(seed)
    k1, k2, k3 = jax.random.split(key, 3)
    x = jax.random.normal(k1, (B, T, D), dtype=jnp.float32)
    # bool mask; original module masks ~mask_prob*mask_len ~ 50% of timesteps,
    # so a ~50% Bernoulli mask matches the production masking density.
    mask = jax.random.randint(k2, (B, T), 0, 2) == 1
    # learned parameter: mask embedding, uniform init as in nn.Parameter(...).uniform_()
    mask_emb = jax.random.uniform(k3, (D,), dtype=jnp.float32)
    return {"x": x, "mask": mask, "mask_emb": mask_emb}

def reference(x, mask, mask_emb):
    # Faithful translation of: x[mask] = self.mask_emb; return x
    # (scatter-overwrite of the mask embedding at masked (b, t) positions)
    return jnp.where(mask[..., None], mask_emb.astype(x.dtype), x)

if __name__ == "__main__":
    import jax
    _d = setup_inputs()
    print(jax.jit(kernel)(*tuple(_d.values())))

</pallas_src>

<mosaic_0001>
#map = affine_map<(d0, d1) -> (0, 0)>
#map1 = affine_map<(d0, d1) -> (0)>
module attributes {stable_mosaic.version = 14 : i64} {
  func.func @_sc_body(%arg0: i32, %arg1: i32, %arg2: memref<16384x768xf32, #tpu.memory_space<hbm>>, %arg3: memref<16384xi32, #tpu.memory_space<hbm>>, %arg4: memref<16x768xf32, #tpu.memory_space<hbm>>, %arg5: memref<16384x768xf32, #tpu.memory_space<hbm>>, %arg6: memref<512xi32, #tpu.memory_space<vmem>>, %arg7: memref<528xi32, #tpu.memory_space<vmem>>, %arg8: memref<528xi32, #tpu.memory_space<vmem>>, %arg9: memref<16x768xf32, #tpu.memory_space<vmem>>, %arg10: memref<144x768xf32, #tpu.memory_space<vmem>>, %arg11: memref<!tpu.dma_semaphore, #tpu.memory_space<semaphore_mem>>, %arg12: memref<!tpu.dma_semaphore, #tpu.memory_space<semaphore_mem>>, %arg13: memref<!tpu.dma_semaphore, #tpu.memory_space<semaphore_mem>>) attributes {dimension_semantics = [#tpu.dimension_semantics<core_parallel>, #tpu.dimension_semantics<subcore_parallel>], iteration_bounds = array<i64: 2, 16>, scalar_prefetch = 0 : i64, scratch_operands = 8 : i64, tpu.core_type = #tpu.core_type<sc_vector_subcore>, window_params = [{transform_indices = #map}, {transform_indices = #map1}, {transform_indices = #map}, {transform_indices = #map}]} {
    %mul3A = arith.constant 2 : i32
    %mul3A_0 = arith.muli %arg1, %mul3A : i32
    %add3A = arith.addi %mul3A_0, %arg0 : i32
    %mul3A_1 = arith.constant 512 : i32
    %mul3A_2 = arith.muli %add3A, %mul3A_1 : i32
    %iota3A = tpu.iota {dimensions = array<i32: 0>} : vector<16xi32>
    %broadcast_in_dim3A = arith.constant 0 : i32
    %broadcast_in_dim3A_3 = vector.broadcast %broadcast_in_dim3A : i32 to vector<16xi32>
    %dma_start3A = tpu.memref_slice %arg3[%mul3A_2] : memref<16384xi32, #tpu.memory_space<hbm>> -> memref<512xi32, #tpu.memory_space<hbm>>
    %dma_start3A_4 = tpu.memref_slice %arg3[%mul3A_2] : memref<16384xi32, #tpu.memory_space<hbm>> -> memref<512xi32, #tpu.memory_space<hbm>>
    tpu.enqueue_dma source(%dma_start3A_4 : memref<512xi32, #tpu.memory_space<hbm>>) target(%arg6 : memref<512xi32, #tpu.memory_space<vmem>>) target_semaphore(%arg12 : memref<!tpu.dma_semaphore, #tpu.memory_space<semaphore_mem>>)
    tpu.enqueue_dma source(%arg4 : memref<16x768xf32, #tpu.memory_space<hbm>>) target(%arg9 : memref<16x768xf32, #tpu.memory_space<vmem>>) target_semaphore(%arg11 : memref<!tpu.dma_semaphore, #tpu.memory_space<semaphore_mem>>)
    %dma_wait3A = tpu.memref_slice %arg3[%mul3A_2] : memref<16384xi32, #tpu.memory_space<hbm>> -> memref<512xi32, #tpu.memory_space<hbm>>
    %dma_wait3A_5 = tpu.memref_slice %arg3[%mul3A_2] : memref<16384xi32, #tpu.memory_space<hbm>> -> memref<512xi32, #tpu.memory_space<hbm>>
    tpu.wait_dma2 semaphore(%arg12 : memref<!tpu.dma_semaphore, #tpu.memory_space<semaphore_mem>>) src(%dma_wait3A_5 : memref<512xi32, #tpu.memory_space<hbm>>) dst(%arg6 : memref<512xi32, #tpu.memory_space<vmem>>)
    tpu.wait_dma2 semaphore(%arg11 : memref<!tpu.dma_semaphore, #tpu.memory_space<semaphore_mem>>) src(%arg4 : memref<16x768xf32, #tpu.memory_space<hbm>>) dst(%arg9 : memref<16x768xf32, #tpu.memory_space<vmem>>)
    %scan3A = arith.constant 0 : i32
    %scan3A_6 = arith.constant 0 : i32
    %scan3A_7 = arith.constant 0 : i32
    %scan3A_8 = arith.constant 32 : i32
    %scan3A_9 = arith.addi %scan3A_7, %scan3A_8 : i32
    %scan3A_10 = arith.constant 1 : i32
    %scan3A_11:2 = scf.for %scan3A_71 = %scan3A_7 to %scan3A_9 step %scan3A_10 iter_args(%scan3A_72 = %scan3A, %scan3A_73 = %scan3A_6) -> (i32, i32)  : i32 {
      %mul3A_74 = arith.constant 16 : i32
      %mul3A_75 = arith.muli %scan3A_71, %mul3A_74 : i32
      %get3A = arith.index_cast %mul3A_75 : i32 to index
      %get3A_76 = tpu.vector_load %arg6[%get3A] {strides = array<i32>} : memref<512xi32, #tpu.memory_space<vmem>>, vector<16xi32>,
      %get3A_77 = vector.shape_cast %get3A_76 : vector<16xi32> to vector<16xi32>
      %ne3A_78 = arith.constant 0 : i32
      %ne3A_79 = vector.broadcast %ne3A_78 : i32 to vector<16xi32>
      %ne3A_80 = arith.cmpi ne, %get3A_77, %ne3A_79 : vector<16xi32>
      %jit3A = arith.constant 1 : i32
      %jit3A_81 = arith.constant 0 : i32
      %broadcast_in_dim3A_82 = vector.broadcast %jit3A : i32 to vector<16xi32>
      %broadcast_in_dim3A_83 = vector.broadcast %jit3A_81 : i32 to vector<16xi32>
      %select_n3A = arith.select %ne3A_80, %broadcast_in_dim3A_82, %broadcast_in_dim3A_83 : vector<16xi1>, vector<16xi32>
      %mul3A_84 = arith.constant 16 : i32
      %mul3A_85 = arith.muli %scan3A_71, %mul3A_84 : i32
      %add3A_86 = arith.addi %mul3A_2, %mul3A_85 : i32
      %add3A_87 = arith.constant 0 : i32
      %add3A_88 = arith.addi %add3A_86, %add3A_87 : i32
      %slice3A = vector.extract_strided_slice %select_n3A {offsets = [0], sizes = [1], strides = [1]} : vector<16xi32> to vector<1xi32>
      %squeeze3A = vector.extract %slice3A[0] : i32 from vector<1xi32>
      %mul3A_89 = arith.constant 0 : i32
      %mul3A_90 = arith.muli %mul3A_89, %squeeze3A : i32
      %sub3A_91 = arith.constant 1 : i32
      %sub3A_92 = arith.subi %squeeze3A, %sub3A_91 : i32
      %mul3A_93 = arith.constant 100 : i32
      %mul3A_94 = arith.muli %sub3A_92, %mul3A_93 : i32
      %add3A_95 = arith.addi %mul3A_90, %mul3A_94 : i32
      %eq3A = vector.broadcast %add3A_95 : i32 to vector<16xi32>
      %eq3A_96 = arith.cmpi eq, %iota3A, %eq3A : vector<16xi32>
      %broadcast_in_dim3A_97 = vector.broadcast %add3A_88 : i32 to vector<16xi32>
      %select_n3A_98 = arith.select %eq3A_96, %broadcast_in_dim3A_97, %broadcast_in_dim3A_3 : vector<16xi1>, vector<16xi32>
      %sub3A_99 = arith.constant 1 : i32
      %sub3A_100 = arith.subi %sub3A_99, %squeeze3A : i32
      %mul3A_101 = arith.constant 0 : i32
      %mul3A_102 = arith.muli %mul3A_101, %sub3A_100 : i32
      %sub3A_103 = arith.constant 1 : i32
      %sub3A_104 = arith.subi %sub3A_100, %sub3A_103 : i32
      %mul3A_105 = arith.constant 100 : i32
      %mul3A_106 = arith.muli %sub3A_104, %mul3A_105 : i32
      %add3A_107 = arith.addi %mul3A_102, %mul3A_106 : i32
      %eq3A_108 = vector.broadcast %add3A_107 : i32 to vector<16xi32>
      %eq3A_109 = arith.cmpi eq, %iota3A, %eq3A_108 : vector<16xi32>
      %broadcast_in_dim3A_110 = vector.broadcast %add3A_88 : i32 to vector<16xi32>
      %select_n3A_111 = arith.select %eq3A_109, %broadcast_in_dim3A_110, %broadcast_in_dim3A_3 : vector<16xi1>, vector<16xi32>
      %add3A_112 = arith.constant 0 : i32
      %add3A_113 = arith.addi %add3A_112, %squeeze3A : i32
      %add3A_114 = arith.constant 0 : i32
      %add3A_115 = arith.addi %add3A_114, %sub3A_100 : i32
      %add3A_116 = arith.constant 1 : i32
      %add3A_117 = arith.addi %add3A_86, %add3A_116 : i32
      %slice3A_118 = vector.extract_strided_slice %select_n3A {offsets = [1], sizes = [1], strides = [1]} : vector<16xi32> to vector<1xi32>
      %squeeze3A_119 = vector.extract %slice3A_118[0] : i32 from vector<1xi32>
      %mul3A_120 = arith.muli %add3A_113, %squeeze3A_119 : i32
      %sub3A_121 = arith.constant 1 : i32
      %sub3A_122 = arith.subi %squeeze3A_119, %sub3A_121 : i32
      %mul3A_123 = arith.constant 100 : i32
      %mul3A_124 = arith.muli %sub3A_122, %mul3A_123 : i32
      %add3A_125 = arith.addi %mul3A_120, %mul3A_124 : i32
      %eq3A_126 = vector.broadcast %add3A_125 : i32 to vector<16xi32>
      %eq3A_127 = arith.cmpi eq, %iota3A, %eq3A_126 : vector<16xi32>
      %broadcast_in_dim3A_128 = vector.broadcast %add3A_117 : i32 to vector<16xi32>
      %select_n3A_129 = arith.select %eq3A_127, %broadcast_in_dim3A_128, %select_n3A_98 : vector<16xi1>, vector<16xi32>
      %sub3A_130 = arith.constant 1 : i32
      %sub3A_131 = arith.subi %sub3A_130, %squeeze3A_119 : i32
      %mul3A_132 = arith.muli %add3A_115, %sub3A_131 : i32
      %sub3A_133 = arith.constant 1 : i32
      %sub3A_134 = arith.subi %sub3A_131, %sub3A_133 : i32
      %mul3A_135 = arith.constant 100 : i32
      %mul3A_136 = arith.muli %sub3A_134, %mul3A_135 : i32
      %add3A_137 = arith.addi %mul3A_132, %mul3A_136 : i32
      %eq3A_138 = vector.broadcast %add3A_137 : i32 to vector<16xi32>
      %eq3A_139 = arith.cmpi eq, %iota3A, %eq3A_138 : vector<16xi32>
      %broadcast_in_dim3A_140 = vector.broadcast %add3A_117 : i32 to vector<16xi32>
      %select_n3A_141 = arith.select %eq3A_139, %broadcast_in_dim3A_140, %select_n3A_111 : vector<16xi1>, vector<16xi32>
      %add3A_142 = arith.addi %add3A_113, %squeeze3A_119 : i32
      %add3A_143 = arith.addi %add3A_115, %sub3A_131 : i32
      %add3A_144 = arith.constant 2 : i32
      %add3A_145 = arith.addi %add3A_86, %add3A_144 : i32
      %slice3A_146 = vector.extract_strided_slice %select_n3A {offsets = [2], sizes = [1], strides = [1]} : vector<16xi32> to vector<1xi32>
      %squeeze3A_147 = vector.extract %slice3A_146[0] : i32 from vector<1xi32>
      %mul3A_148 = arith.muli %add3A_142, %squeeze3A_147 : i32
      %sub3A_149 = arith.constant 1 : i32
      %sub3A_150 = arith.subi %squeeze3A_147, %sub3A_149 : i32
      %mul3A_151 = arith.constant 100 : i32
      %mul3A_152 = arith.muli %sub3A_150, %mul3A_151 : i32
      %add3A_153 = arith.addi %mul3A_148, %mul3A_152 : i32
      %eq3A_154 = vector.broadcast %add3A_153 : i32 to vector<16xi32>
      %eq3A_155 = arith.cmpi eq, %iota3A, %eq3A_154 : vector<16xi32>
      %broadcast_in_dim3A_156 = vector.broadcast %add3A_145 : i32 to vector<16xi32>
      %select_n3A_157 = arith.select %eq3A_155, %broadcast_in_dim3A_156, %select_n3A_129 : vector<16xi1>, vector<16xi32>
      %sub3A_158 = arith.constant 1 : i32
      %sub3A_159 = arith.subi %sub3A_158, %squeeze3A_147 : i32
      %mul3A_160 = arith.muli %add3A_143, %sub3A_159 : i32
      %sub3A_161 = arith.constant 1 : i32
      %sub3A_162 = arith.subi %sub3A_159, %sub3A_161 : i32
      %mul3A_163 = arith.constant 100 : i32
      %mul3A_164 = arith.muli %sub3A_162, %mul3A_163 : i32
      %add3A_165 = arith.addi %mul3A_160, %mul3A_164 : i32
      %eq3A_166 = vector.broadcast %add3A_165 : i32 to vector<16xi32>
      %eq3A_167 = arith.cmpi eq, %iota3A, %eq3A_166 : vector<16xi32>
      %broadcast_in_dim3A_168 = vector.broadcast %add3A_145 : i32 to vector<16xi32>
      %select_n3A_169 = arith.select %eq3A_167, %broadcast_in_dim3A_168, %select_n3A_141 : vector<16xi1>, vector<16xi32>
      %add3A_170 = arith.addi %add3A_142, %squeeze3A_147 : i32
      %add3A_171 = arith.addi %add3A_143, %sub3A_159 : i32
      %add3A_172 = arith.constant 3 : i32
      %add3A_173 = arith.addi %add3A_86, %add3A_172 : i32
      %slice3A_174 = vector.extract_strided_slice %select_n3A {offsets = [3], sizes = [1], strides = [1]} : vector<16xi32> to vector<1xi32>
      %squeeze3A_175 = vector.extract %slice3A_174[0] : i32 from vector<1xi32>
      %mul3A_176 = arith.muli %add3A_170, %squeeze3A_175 : i32
      %sub3A_177 = arith.constant 1 : i32
      %sub3A_178 = arith.subi %squeeze3A_175, %sub3A_177 : i32
      %mul3A_179 = arith.constant 100 : i32
      %mul3A_180 = arith.muli %sub3A_178, %mul3A_179 : i32
      %add3A_181 = arith.addi %mul3A_176, %mul3A_180 : i32
      %eq3A_182 = vector.broadcast %add3A_181 : i32 to vector<16xi32>
      %eq3A_183 = arith.cmpi eq, %iota3A, %eq3A_182 : vector<16xi32>
      %broadcast_in_dim3A_184 = vector.broadcast %add3A_173 : i32 to vector<16xi32>
      %select_n3A_185 = arith.select %eq3A_183, %broadcast_in_dim3A_184, %select_n3A_157 : vector<16xi1>, vector<16xi32>
      %sub3A_186 = arith.constant 1 : i32
      %sub3A_187 = arith.subi %sub3A_186, %squeeze3A_175 : i32
      %mul3A_188 = arith.muli %add3A_171, %sub3A_187 : i32
      %sub3A_189 = arith.constant 1 : i32
      %sub3A_190 = arith.subi %sub3A_187, %sub3A_189 : i32
      %mul3A_191 = arith.constant 100 : i32
      %mul3A_192 = arith.muli %sub3A_190, %mul3A_191 : i32
      %add3A_193 = arith.addi %mul3A_188, %mul3A_192 : i32
      %eq3A_194 = vector.broadcast %add3A_193 : i32 to vector<16xi32>
      %eq3A_195 = arith.cmpi eq, %iota3A, %eq3A_194 : vector<16xi32>
      %broadcast_in_dim3A_196 = vector.broadcast %add3A_173 : i32 to vector<16xi32>
      %select_n3A_197 = arith.select %eq3A_195, %broadcast_in_dim3A_196, %select_n3A_169 : vector<16xi1>, vector<16xi32>
      %add3A_198 = arith.addi %add3A_170, %squeeze3A_175 : i32
      %add3A_199 = arith.addi %add3A_171, %sub3A_187 : i32
      %add3A_200 = arith.constant 4 : i32
      %add3A_201 = arith.addi %add3A_86, %add3A_200 : i32
      %slice3A_202 = vector.extract_strided_slice %select_n3A {offsets = [4], sizes = [1], strides = [1]} : vector<16xi32> to vector<1xi32>
      %squeeze3A_203 = vector.extract %slice3A_202[0] : i32 from vector<1xi32>
      %mul3A_204 = arith.muli %add3A_198, %squeeze3A_203 : i32
      %sub3A_205 = arith.constant 1 : i32
      %sub3A_206 = arith.subi %squeeze3A_203, %sub3A_205 : i32
      %mul3A_207 = arith.constant 100 : i32
      %mul3A_208 = arith.muli %sub3A_206, %mul3A_207 : i32
      %add3A_209 = arith.addi %mul3A_204, %mul3A_208 : i32
      %eq3A_210 = vector.broadcast %add3A_209 : i32 to vector<16xi32>
      %eq3A_211 = arith.cmpi eq, %iota3A, %eq3A_210 : vector<16xi32>
      %broadcast_in_dim3A_212 = vector.broadcast %add3A_201 : i32 to vector<16xi32>
      %select_n3A_213 = arith.select %eq3A_211, %broadcast_in_dim3A_212, %select_n3A_185 : vector<16xi1>, vector<16xi32>
      %sub3A_214 = arith.constant 1 : i32
      %sub3A_215 = arith.subi %sub3A_214, %squeeze3A_203 : i32
      %mul3A_216 = arith.muli %add3A_199, %sub3A_215 : i32
      %sub3A_217 = arith.constant 1 : i32
      %sub3A_218 = arith.subi %sub3A_215, %sub3A_217 : i32
      %mul3A_219 = arith.constant 100 : i32
      %mul3A_220 = arith.muli %sub3A_218, %mul3A_219 : i32
      %add3A_221 = arith.addi %mul3A_216, %mul3A_220 : i32
      %eq3A_222 = vector.broadcast %add3A_221 : i32 to vector<16xi32>
      %eq3A_223 = arith.cmpi eq, %iota3A, %eq3A_222 : vector<16xi32>
      %broadcast_in_dim3A_224 = vector.broadcast %add3A_201 : i32 to vector<16xi32>
      %select_n3A_225 = arith.select %eq3A_223, %broadcast_in_dim3A_224, %select_n3A_197 : vector<16xi1>, vector<16xi32>
      %add3A_226 = arith.addi %add3A_198, %squeeze3A_203 : i32
      %add3A_227 = arith.addi %add3A_199, %sub3A_215 : i32
      %add3A_228 = arith.constant 5 : i32
      %add3A_229 = arith.addi %add3A_86, %add3A_228 : i32
      %slice3A_230 = vector.extract_strided_slice %select_n3A {offsets = [5], sizes = [1], strides = [1]} : vector<16xi32> to vector<1xi32>
      %squeeze3A_231 = vector.extract %slice3A_230[0] : i32 from vector<1xi32>
      %mul3A_232 = arith.muli %add3A_226, %squeeze3A_231 : i32
      %sub3A_233 = arith.constant 1 : i32
      %sub3A_234 = arith.subi %squeeze3A_231, %sub3A_233 : i32
      %mul3A_235 = arith.constant 100 : i32
      %mul3A_236 = arith.muli %sub3A_234, %mul3A_235 : i32
      %add3A_237 = arith.addi %mul3A_232, %mul3A_236 : i32
      %eq3A_238 = vector.broadcast %add3A_237 : i32 to vector<16xi32>
      %eq3A_239 = arith.cmpi eq, %iota3A, %eq3A_238 : vector<16xi32>
      %broadcast_in_dim3A_240 = vector.broadcast %add3A_229 : i32 to vector<16xi32>
      %select_n3A_241 = arith.select %eq3A_239, %broadcast_in_dim3A_240, %select_n3A_213 : vector<16xi1>, vector<16xi32>
      %sub3A_242 = arith.constant 1 : i32
      %sub3A_243 = arith.subi %sub3A_242, %squeeze3A_231 : i32
      %mul3A_244 = arith.muli %add3A_227, %sub3A_243 : i32
      %sub3A_245 = arith.constant 1 : i32
      %sub3A_246 = arith.subi %sub3A_243, %sub3A_245 : i32
      %mul3A_247 = arith.constant 100 : i32
      %mul3A_248 = arith.muli %sub3A_246, %mul3A_247 : i32
      %add3A_249 = arith.addi %mul3A_244, %mul3A_248 : i32
      %eq3A_250 = vector.broadcast %add3A_249 : i32 to vector<16xi32>
      %eq3A_251 = arith.cmpi eq, %iota3A, %eq3A_250 : vector<16xi32>
      %broadcast_in_dim3A_252 = vector.broadcast %add3A_229 : i32 to vector<16xi32>
      %select_n3A_253 = arith.select %eq3A_251, %broadcast_in_dim3A_252, %select_n3A_225 : vector<16xi1>, vector<16xi32>
      %add3A_254 = arith.addi %add3A_226, %squeeze3A_231 : i32
      %add3A_255 = arith.addi %add3A_227, %sub3A_243 : i32
      %add3A_256 = arith.constant 6 : i32
      %add3A_257 = arith.addi %add3A_86, %add3A_256 : i32
      %slice3A_258 = vector.extract_strided_slice %select_n3A {offsets = [6], sizes = [1], strides = [1]} : vector<16xi32> to vector<1xi32>
      %squeeze3A_259 = vector.extract %slice3A_258[0] : i32 from vector<1xi32>
      %mul3A_260 = arith.muli %add3A_254, %squeeze3A_259 : i32
      %sub3A_261 = arith.constant 1 : i32
      %sub3A_262 = arith.subi %squeeze3A_259, %sub3A_261 : i32
      %mul3A_263 = arith.constant 100 : i32
      %mul3A_264 = arith.muli %sub3A_262, %mul3A_263 : i32
      %add3A_265 = arith.addi %mul3A_260, %mul3A_264 : i32
      %eq3A_266 = vector.broadcast %add3A_265 : i32 to vector<16xi32>
      %eq3A_267 = arith.cmpi eq, %iota3A, %eq3A_266 : vector<16xi32>
      %broadcast_in_dim3A_268 = vector.broadcast %add3A_257 : i32 to vector<16xi32>
      %select_n3A_269 = arith.select %eq3A_267, %broadcast_in_dim3A_268, %select_n3A_241 : vector<16xi1>, vector<16xi32>
      %sub3A_270 = arith.constant 1 : i32
      %sub3A_271 = arith.subi %sub3A_270, %squeeze3A_259 : i32
      %mul3A_272 = arith.muli %add3A_255, %sub3A_271 : i32
      %sub3A_273 = arith.constant 1 : i32
      %sub3A_274 = arith.subi %sub3A_271, %sub3A_273 : i32
      %mul3A_275 = arith.constant 100 : i32
      %mul3A_276 = arith.muli %sub3A_274, %mul3A_275 : i32
      %add3A_277 = arith.addi %mul3A_272, %mul3A_276 : i32
      %eq3A_278 = vector.broadcast %add3A_277 : i32 to vector<16xi32>
      %eq3A_279 = arith.cmpi eq, %iota3A, %eq3A_278 : vector<16xi32>
      %broadcast_in_dim3A_280 = vector.broadcast %add3A_257 : i32 to vector<16xi32>
      %select_n3A_281 = arith.select %eq3A_279, %broadcast_in_dim3A_280, %select_n3A_253 : vector<16xi1>, vector<16xi32>
      %add3A_282 = arith.addi %add3A_254, %squeeze3A_259 : i32
      %add3A_283 = arith.addi %add3A_255, %sub3A_271 : i32
      %add3A_284 = arith.constant 7 : i32
      %add3A_285 = arith.addi %add3A_86, %add3A_284 : i32
      %slice3A_286 = vector.extract_strided_slice %select_n3A {offsets = [7], sizes = [1], strides = [1]} : vector<16xi32> to vector<1xi32>
      %squeeze3A_287 = vector.extract %slice3A_286[0] : i32 from vector<1xi32>
      %mul3A_288 = arith.muli %add3A_282, %squeeze3A_287 : i32
      %sub3A_289 = arith.constant 1 : i32
      %sub3A_290 = arith.subi %squeeze3A_287, %sub3A_289 : i32
      %mul3A_291 = arith.constant 100 : i32
      %mul3A_292 = arith.muli %sub3A_290, %mul3A_291 : i32
      %add3A_293 = arith.addi %mul3A_288, %mul3A_292 : i32
      %eq3A_294 = vector.broadcast %add3A_293 : i32 to vector<16xi32>
      %eq3A_295 = arith.cmpi eq, %iota3A, %eq3A_294 : vector<16xi32>
      %broadcast_in_dim3A_296 = vector.broadcast %add3A_285 : i32 to vector<16xi32>
      %select_n3A_297 = arith.select %eq3A_295, %broadcast_in_dim3A_296, %select_n3A_269 : vector<16xi1>, vector<16xi32>
      %sub3A_298 = arith.constant 1 : i32
      %sub3A_299 = arith.subi %sub3A_298, %squeeze3A_287 : i32
      %mul3A_300 = arith.muli %add3A_283, %sub3A_299 : i32
      %sub3A_301 = arith.constant 1 : i32
      %sub3A_302 = arith.subi %sub3A_299, %sub3A_301 : i32
      %mul3A_303 = arith.constant 100 : i32
      %mul3A_304 = arith.muli %sub3A_302, %mul3A_303 : i32
      %add3A_305 = arith.addi %mul3A_300, %mul3A_304 : i32
      %eq3A_306 = vector.broadcast %add3A_305 : i32 to vector<16xi32>
      %eq3A_307 = arith.cmpi eq, %iota3A, %eq3A_306 : vector<16xi32>
      %broadcast_in_dim3A_308 = vector.broadcast %add3A_285 : i32 to vector<16xi32>
      %select_n3A_309 = arith.select %eq3A_307, %broadcast_in_dim3A_308, %select_n3A_281 : vector<16xi1>, vector<16xi32>
      %add3A_310 = arith.addi %add3A_282, %squeeze3A_287 : i32
      %add3A_311 = arith.addi %add3A_283, %sub3A_299 : i32
      %add3A_312 = arith.constant 8 : i32
      %add3A_313 = arith.addi %add3A_86, %add3A_312 : i32
      %slice3A_314 = vector.extract_strided_slice %select_n3A {offsets = [8], sizes = [1], strides = [1]} : vector<16xi32> to vector<1xi32>
      %squeeze3A_315 = vector.extract %slice3A_314[0] : i32 from vector<1xi32>
      %mul3A_316 = arith.muli %add3A_310, %squeeze3A_315 : i32
      %sub3A_317 = arith.constant 1 : i32
      %sub3A_318 = arith.subi %squeeze3A_315, %sub3A_317 : i32
      %mul3A_319 = arith.constant 100 : i32
      %mul3A_320 = arith.muli %sub3A_318, %mul3A_319 : i32
      %add3A_321 = arith.addi %mul3A_316, %mul3A_320 : i32
      %eq3A_322 = vector.broadcast %add3A_321 : i32 to vector<16xi32>
      %eq3A_323 = arith.cmpi eq, %iota3A, %eq3A_322 : vector<16xi32>
      %broadcast_in_dim3A_324 = vector.broadcast %add3A_313 : i32 to vector<16xi32>
      %select_n3A_325 = arith.select %eq3A_323, %broadcast_in_dim3A_324, %select_n3A_297 : vector<16xi1>, vector<16xi32>
      %sub3A_326 = arith.constant 1 : i32
      %sub3A_327 = arith.subi %sub3A_326, %squeeze3A_315 : i32
      %mul3A_328 = arith.muli %add3A_311, %sub3A_327 : i32
      %sub3A_329 = arith.constant 1 : i32
      %sub3A_330 = arith.subi %sub3A_327, %sub3A_329 : i32
      %mul3A_331 = arith.constant 100 : i32
      %mul3A_332 = arith.muli %sub3A_330, %mul3A_331 : i32
      %add3A_333 = arith.addi %mul3A_328, %mul3A_332 : i32
      %eq3A_334 = vector.broadcast %add3A_333 : i32 to vector<16xi32>
      %eq3A_335 = arith.cmpi eq, %iota3A, %eq3A_334 : vector<16xi32>
      %broadcast_in_dim3A_336 = vector.broadcast %add3A_313 : i32 to vector<16xi32>
      %select_n3A_337 = arith.select %eq3A_335, %broadcast_in_dim3A_336, %select_n3A_309 : vector<16xi1>, vector<16xi32>
      %add3A_338 = arith.addi %add3A_310, %squeeze3A_315 : i32
      %add3A_339 = arith.addi %add3A_311, %sub3A_327 : i32
      %add3A_340 = arith.constant 9 : i32
      %add3A_341 = arith.addi %add3A_86, %add3A_340 : i32
      %slice3A_342 = vector.extract_strided_slice %select_n3A {offsets = [9], sizes = [1], strides = [1]} : vector<16xi32> to vector<1xi32>
      %squeeze3A_343 = vector.extract %slice3A_342[0] : i32 from vector<1xi32>
      %mul3A_344 = arith.muli %add3A_338, %squeeze3A_343 : i32
      %sub3A_345 = arith.constant 1 : i32
      %sub3A_346 = arith.subi %squeeze3A_343, %sub3A_345 : i32
      %mul3A_347 = arith.constant 100 : i32
      %mul3A_348 = arith.muli %sub3A_346, %mul3A_347 : i32
      %add3A_349 = arith.addi %mul3A_344, %mul3A_348 : i32
      %eq3A_350 = vector.broadcast %add3A_349 : i32 to vector<16xi32>
      %eq3A_351 = arith.cmpi eq, %iota3A, %eq3A_350 : vector<16xi32>
      %broadcast_in_dim3A_352 = vector.broadcast %add3A_341 : i32 to vector<16xi32>
      %select_n3A_353 = arith.select %eq3A_351, %broadcast_in_dim3A_352, %select_n3A_325 : vector<16xi1>, vector<16xi32>
      %sub3A_354 = arith.constant 1 : i32
      %sub3A_355 = arith.subi %sub3A_354, %squeeze3A_343 : i32
      %mul3A_356 = arith.muli %add3A_339, %sub3A_355 : i32
      %sub3A_357 = arith.constant 1 : i32
      %sub3A_358 = arith.subi %sub3A_355, %sub3A_357 : i32
      %mul3A_359 = arith.constant 100 : i32
      %mul3A_360 = arith.muli %sub3A_358, %mul3A_359 : i32
      %add3A_361 = arith.addi %mul3A_356, %mul3A_360 : i32
      %eq3A_362 = vector.broadcast %add3A_361 : i32 to vector<16xi32>
      %eq3A_363 = arith.cmpi eq, %iota3A, %eq3A_362 : vector<16xi32>
      %broadcast_in_dim3A_364 = vector.broadcast %add3A_341 : i32 to vector<16xi32>
      %select_n3A_365 = arith.select %eq3A_363, %broadcast_in_dim3A_364, %select_n3A_337 : vector<16xi1>, vector<16xi32>
      %add3A_366 = arith.addi %add3A_338, %squeeze3A_343 : i32
      %add3A_367 = arith.addi %add3A_339, %sub3A_355 : i32
      %add3A_368 = arith.constant 10 : i32
      %add3A_369 = arith.addi %add3A_86, %add3A_368 : i32
      %slice3A_370 = vector.extract_strided_slice %select_n3A {offsets = [10], sizes = [1], strides = [1]} : vector<16xi32> to vector<1xi32>
      %squeeze3A_371 = vector.extract %slice3A_370[0] : i32 from vector<1xi32>
      %mul3A_372 = arith.muli %add3A_366, %squeeze3A_371 : i32
      %sub3A_373 = arith.constant 1 : i32
      %sub3A_374 = arith.subi %squeeze3A_371, %sub3A_373 : i32
      %mul3A_375 = arith.constant 100 : i32
      %mul3A_376 = arith.muli %sub3A_374, %mul3A_375 : i32
      %add3A_377 = arith.addi %mul3A_372, %mul3A_376 : i32
      %eq3A_378 = vector.broadcast %add3A_377 : i32 to vector<16xi32>
      %eq3A_379 = arith.cmpi eq, %iota3A, %eq3A_378 : vector<16xi32>
      %broadcast_in_dim3A_380 = vector.broadcast %add3A_369 : i32 to vector<16xi32>
      %select_n3A_381 = arith.select %eq3A_379, %broadcast_in_dim3A_380, %select_n3A_353 : vector<16xi1>, vector<16xi32>
      %sub3A_382 = arith.constant 1 : i32
      %sub3A_383 = arith.subi %sub3A_382, %squeeze3A_371 : i32
      %mul3A_384 = arith.muli %add3A_367, %sub3A_383 : i32
      %sub3A_385 = arith.constant 1 : i32
      %sub3A_386 = arith.subi %sub3A_383, %sub3A_385 : i32
      %mul3A_387 = arith.constant 100 : i32
      %mul3A_388 = arith.muli %sub3A_386, %mul3A_387 : i32
      %add3A_389 = arith.addi %mul3A_384, %mul3A_388 : i32
      %eq3A_390 = vector.broadcast %add3A_389 : i32 to vector<16xi32>
      %eq3A_391 = arith.cmpi eq, %iota3A, %eq3A_390 : vector<16xi32>
      %broadcast_in_dim3A_392 = vector.broadcast %add3A_369 : i32 to vector<16xi32>
      %select_n3A_393 = arith.select %eq3A_391, %broadcast_in_dim3A_392, %select_n3A_365 : vector<16xi1>, vector<16xi32>
      %add3A_394 = arith.addi %add3A_366, %squeeze3A_371 : i32
      %add3A_395 = arith.addi %add3A_367, %sub3A_383 : i32
      %add3A_396 = arith.constant 11 : i32
      %add3A_397 = arith.addi %add3A_86, %add3A_396 : i32
      %slice3A_398 = vector.extract_strided_slice %select_n3A {offsets = [11], sizes = [1], strides = [1]} : vector<16xi32> to vector<1xi32>
      %squeeze3A_399 = vector.extract %slice3A_398[0] : i32 from vector<1xi32>
      %mul3A_400 = arith.muli %add3A_394, %squeeze3A_399 : i32
      %sub3A_401 = arith.constant 1 : i32
      %sub3A_402 = arith.subi %squeeze3A_399, %sub3A_401 : i32
      %mul3A_403 = arith.constant 100 : i32
      %mul3A_404 = arith.muli %sub3A_402, %mul3A_403 : i32
      %add3A_405 = arith.addi %mul3A_400, %mul3A_404 : i32
      %eq3A_406 = vector.broadcast %add3A_405 : i32 to vector<16xi32>
      %eq3A_407 = arith.cmpi eq, %iota3A, %eq3A_406 : vector<16xi32>
      %broadcast_in_dim3A_408 = vector.broadcast %add3A_397 : i32 to vector<16xi32>
      %select_n3A_409 = arith.select %eq3A_407, %broadcast_in_dim3A_408, %select_n3A_381 : vector<16xi1>, vector<16xi32>
      %sub3A_410 = arith.constant 1 : i32
      %sub3A_411 = arith.subi %sub3A_410, %squeeze3A_399 : i32
      %mul3A_412 = arith.muli %add3A_395, %sub3A_411 : i32
      %sub3A_413 = arith.constant 1 : i32
      %sub3A_414 = arith.subi %sub3A_411, %sub3A_413 : i32
      %mul3A_415 = arith.constant 100 : i32
      %mul3A_416 = arith.muli %sub3A_414, %mul3A_415 : i32
      %add3A_417 = arith.addi %mul3A_412, %mul3A_416 : i32
      %eq3A_418 = vector.broadcast %add3A_417 : i32 to vector<16xi32>
      %eq3A_419 = arith.cmpi eq, %iota3A, %eq3A_418 : vector<16xi32>
      %broadcast_in_dim3A_420 = vector.broadcast %add3A_397 : i32 to vector<16xi32>
      %select_n3A_421 = arith.select %eq3A_419, %broadcast_in_dim3A_420, %select_n3A_393 : vector<16xi1>, vector<16xi32>
      %add3A_422 = arith.addi %add3A_394, %squeeze3A_399 : i32
      %add3A_423 = arith.addi %add3A_395, %sub3A_411 : i32
      %add3A_424 = arith.constant 12 : i32
      %add3A_425 = arith.addi %add3A_86, %add3A_424 : i32
      %slice3A_426 = vector.extract_strided_slice %select_n3A {offsets = [12], sizes = [1], strides = [1]} : vector<16xi32> to vector<1xi32>
      %squeeze3A_427 = vector.extract %slice3A_426[0] : i32 from vector<1xi32>
      %mul3A_428 = arith.muli %add3A_422, %squeeze3A_427 : i32
      %sub3A_429 = arith.constant 1 : i32
      %sub3A_430 = arith.subi %squeeze3A_427, %sub3A_429 : i32
      %mul3A_431 = arith.constant 100 : i32
      %mul3A_432 = arith.muli %sub3A_430, %mul3A_431 : i32
      %add3A_433 = arith.addi %mul3A_428, %mul3A_432 : i32
      %eq3A_434 = vector.broadcast %add3A_433 : i32 to vector<16xi32>
      %eq3A_435 = arith.cmpi eq, %iota3A, %eq3A_434 : vector<16xi32>
      %broadcast_in_dim3A_436 = vector.broadcast %add3A_425 : i32 to vector<16xi32>
      %select_n3A_437 = arith.select %eq3A_435, %broadcast_in_dim3A_436, %select_n3A_409 : vector<16xi1>, vector<16xi32>
      %sub3A_438 = arith.constant 1 : i32
      %sub3A_439 = arith.subi %sub3A_438, %squeeze3A_427 : i32
      %mul3A_440 = arith.muli %add3A_423, %sub3A_439 : i32
      %sub3A_441 = arith.constant 1 : i32
      %sub3A_442 = arith.subi %sub3A_439, %sub3A_441 : i32
      %mul3A_443 = arith.constant 100 : i32
      %mul3A_444 = arith.muli %sub3A_442, %mul3A_443 : i32
      %add3A_445 = arith.addi %mul3A_440, %mul3A_444 : i32
      %eq3A_446 = vector.broadcast %add3A_445 : i32 to vector<16xi32>
      %eq3A_447 = arith.cmpi eq, %iota3A, %eq3A_446 : vector<16xi32>
      %broadcast_in_dim3A_448 = vector.broadcast %add3A_425 : i32 to vector<16xi32>
      %select_n3A_449 = arith.select %eq3A_447, %broadcast_in_dim3A_448, %select_n3A_421 : vector<16xi1>, vector<16xi32>
      %add3A_450 = arith.addi %add3A_422, %squeeze3A_427 : i32
      %add3A_451 = arith.addi %add3A_423, %sub3A_439 : i32
      %add3A_452 = arith.constant 13 : i32
      %add3A_453 = arith.addi %add3A_86, %add3A_452 : i32
      %slice3A_454 = vector.extract_strided_slice %select_n3A {offsets = [13], sizes = [1], strides = [1]} : vector<16xi32> to vector<1xi32>
      %squeeze3A_455 = vector.extract %slice3A_454[0] : i32 from vector<1xi32>
      %mul3A_456 = arith.muli %add3A_450, %squeeze3A_455 : i32
      %sub3A_457 = arith.constant 1 : i32
      %sub3A_458 = arith.subi %squeeze3A_455, %sub3A_457 : i32
      %mul3A_459 = arith.constant 100 : i32
      %mul3A_460 = arith.muli %sub3A_458, %mul3A_459 : i32
      %add3A_461 = arith.addi %mul3A_456, %mul3A_460 : i32
      %eq3A_462 = vector.broadcast %add3A_461 : i32 to vector<16xi32>
      %eq3A_463 = arith.cmpi eq, %iota3A, %eq3A_462 : vector<16xi32>
      %broadcast_in_dim3A_464 = vector.broadcast %add3A_453 : i32 to vector<16xi32>
      %select_n3A_465 = arith.select %eq3A_463, %broadcast_in_dim3A_464, %select_n3A_437 : vector<16xi1>, vector<16xi32>
      %sub3A_466 = arith.constant 1 : i32
      %sub3A_467 = arith.subi %sub3A_466, %squeeze3A_455 : i32
      %mul3A_468 = arith.muli %add3A_451, %sub3A_467 : i32
      %sub3A_469 = arith.constant 1 : i32
      %sub3A_470 = arith.subi %sub3A_467, %sub3A_469 : i32
      %mul3A_471 = arith.constant 100 : i32
      %mul3A_472 = arith.muli %sub3A_470, %mul3A_471 : i32
      %add3A_473 = arith.addi %mul3A_468, %mul3A_472 : i32
      %eq3A_474 = vector.broadcast %add3A_473 : i32 to vector<16xi32>
      %eq3A_475 = arith.cmpi eq, %iota3A, %eq3A_474 : vector<16xi32>
      %broadcast_in_dim3A_476 = vector.broadcast %add3A_453 : i32 to vector<16xi32>
      %select_n3A_477 = arith.select %eq3A_475, %broadcast_in_dim3A_476, %select_n3A_449 : vector<16xi1>, vector<16xi32>
      %add3A_478 = arith.addi %add3A_450, %squeeze3A_455 : i32
      %add3A_479 = arith.addi %add3A_451, %sub3A_467 : i32
      %add3A_480 = arith.constant 14 : i32
      %add3A_481 = arith.addi %add3A_86, %add3A_480 : i32
      %slice3A_482 = vector.extract_strided_slice %select_n3A {offsets = [14], sizes = [1], strides = [1]} : vector<16xi32> to vector<1xi32>
      %squeeze3A_483 = vector.extract %slice3A_482[0] : i32 from vector<1xi32>
      %mul3A_484 = arith.muli %add3A_478, %squeeze3A_483 : i32
      %sub3A_485 = arith.constant 1 : i32
      %sub3A_486 = arith.subi %squeeze3A_483, %sub3A_485 : i32
      %mul3A_487 = arith.constant 100 : i32
      %mul3A_488 = arith.muli %sub3A_486, %mul3A_487 : i32
      %add3A_489 = arith.addi %mul3A_484, %mul3A_488 : i32
      %eq3A_490 = vector.broadcast %add3A_489 : i32 to vector<16xi32>
      %eq3A_491 = arith.cmpi eq, %iota3A, %eq3A_490 : vector<16xi32>
      %broadcast_in_dim3A_492 = vector.broadcast %add3A_481 : i32 to vector<16xi32>
      %select_n3A_493 = arith.select %eq3A_491, %broadcast_in_dim3A_492, %select_n3A_465 : vector<16xi1>, vector<16xi32>
      %sub3A_494 = arith.constant 1 : i32
      %sub3A_495 = arith.subi %sub3A_494, %squeeze3A_483 : i32
      %mul3A_496 = arith.muli %add3A_479, %sub3A_495 : i32
      %sub3A_497 = arith.constant 1 : i32
      %sub3A_498 = arith.subi %sub3A_495, %sub3A_497 : i32
      %mul3A_499 = arith.constant 100 : i32
      %mul3A_500 = arith.muli %sub3A_498, %mul3A_499 : i32
      %add3A_501 = arith.addi %mul3A_496, %mul3A_500 : i32
      %eq3A_502 = vector.broadcast %add3A_501 : i32 to vector<16xi32>
      %eq3A_503 = arith.cmpi eq, %iota3A, %eq3A_502 : vector<16xi32>
      %broadcast_in_dim3A_504 = vector.broadcast %add3A_481 : i32 to vector<16xi32>
      %select_n3A_505 = arith.select %eq3A_503, %broadcast_in_dim3A_504, %select_n3A_477 : vector<16xi1>, vector<16xi32>
      %add3A_506 = arith.addi %add3A_478, %squeeze3A_483 : i32
      %add3A_507 = arith.addi %add3A_479, %sub3A_495 : i32
      %add3A_508 = arith.constant 15 : i32
      %add3A_509 = arith.addi %add3A_86, %add3A_508 : i32
      %slice3A_510 = vector.extract_strided_slice %select_n3A {offsets = [15], sizes = [1], strides = [1]} : vector<16xi32> to vector<1xi32>
      %squeeze3A_511 = vector.extract %slice3A_510[0] : i32 from vector<1xi32>
      %mul3A_512 = arith.muli %add3A_506, %squeeze3A_511 : i32
      %sub3A_513 = arith.constant 1 : i32
      %sub3A_514 = arith.subi %squeeze3A_511, %sub3A_513 : i32
      %mul3A_515 = arith.constant 100 : i32
      %mul3A_516 = arith.muli %sub3A_514, %mul3A_515 : i32
      %add3A_517 = arith.addi %mul3A_512, %mul3A_516 : i32
      %eq3A_518 = vector.broadcast %add3A_517 : i32 to vector<16xi32>
      %eq3A_519 = arith.cmpi eq, %iota3A, %eq3A_518 : vector<16xi32>
      %broadcast_in_dim3A_520 = vector.broadcast %add3A_509 : i32 to vector<16xi32>
      %select_n3A_521 = arith.select %eq3A_519, %broadcast_in_dim3A_520, %select_n3A_493 : vector<16xi1>, vector<16xi32>
      %sub3A_522 = arith.constant 1 : i32
      %sub3A_523 = arith.subi %sub3A_522, %squeeze3A_511 : i32
      %mul3A_524 = arith.muli %add3A_507, %sub3A_523 : i32
      %sub3A_525 = arith.constant 1 : i32
      %sub3A_526 = arith.subi %sub3A_523, %sub3A_525 : i32
      %mul3A_527 = arith.constant 100 : i32
      %mul3A_528 = arith.muli %sub3A_526, %mul3A_527 : i32
      %add3A_529 = arith.addi %mul3A_524, %mul3A_528 : i32
      %eq3A_530 = vector.broadcast %add3A_529 : i32 to vector<16xi32>
      %eq3A_531 = arith.cmpi eq, %iota3A, %eq3A_530 : vector<16xi32>
      %broadcast_in_dim3A_532 = vector.broadcast %add3A_509 : i32 to vector<16xi32>
      %select_n3A_533 = arith.select %eq3A_531, %broadcast_in_dim3A_532, %select_n3A_505 : vector<16xi1>, vector<16xi32>
      %add3A_534 = arith.addi %add3A_506, %squeeze3A_511 : i32
      %add3A_535 = arith.addi %add3A_507, %sub3A_523 : i32
      %swap3A = arith.index_cast %scan3A_72 : i32 to index
      %swap3A_536 = tpu.vector_load %arg7[%swap3A] {strides = array<i32>} : memref<528xi32, #tpu.memory_space<vmem>>, vector<16xi32>,
      %swap3A_537 = vector.shape_cast %swap3A_536 : vector<16xi32> to vector<16xi32>
      %swap3A_538 = vector.shape_cast %select_n3A_521 : vector<16xi32> to vector<16xi32>
      tpu.vector_store %arg7[%swap3A], %swap3A_538 {strides = array<i32>} : memref<528xi32, #tpu.memory_space<vmem>>, vector<16xi32>,
      %swap3A_539 = arith.index_cast %scan3A_73 : i32 to index
      %swap3A_540 = tpu.vector_load %arg8[%swap3A_539] {strides = array<i32>} : memref<528xi32, #tpu.memory_space<vmem>>, vector<16xi32>,
      %swap3A_541 = vector.shape_cast %swap3A_540 : vector<16xi32> to vector<16xi32>
      %swap3A_542 = vector.shape_cast %select_n3A_533 : vector<16xi32> to vector<16xi32>
      tpu.vector_store %arg8[%swap3A_539], %swap3A_542 {strides = array<i32>} : memref<528xi32, #tpu.memory_space<vmem>>, vector<16xi32>,
      %add3A_543 = arith.addi %scan3A_72, %add3A_534 : i32
      %add3A_544 = arith.addi %scan3A_73, %add3A_535 : i32
      %shift_right_arithmetic3A_545 = arith.constant 4 : i32
      %shift_right_arithmetic3A_546 = arith.shrsi %add3A_543, %shift_right_arithmetic3A_545 : i32
      %shift_right_arithmetic3A_547 = arith.constant 4 : i32
      %shift_right_arithmetic3A_548 = arith.shrsi %scan3A_72, %shift_right_arithmetic3A_547 : i32
      %sub3A_549 = arith.subi %shift_right_arithmetic3A_546, %shift_right_arithmetic3A_548 : i32
      %eq3A_550 = arith.constant 1 : i32
      %eq3A_551 = arith.cmpi eq, %sub3A_549, %eq3A_550 : i32
      %convert_element_type3A_552 = arith.extui %eq3A_551 : i1 to i32
      %cond3A_553 = arith.constant 0 : i32
      %cond3A_554 = arith.cmpi ne, %convert_element_type3A_552, %cond3A_553 : i32
      scf.if %cond3A_554 {
        %shift_right_arithmetic3A_565 = arith.constant 4 : i32
        %shift_right_arithmetic3A_566 = arith.shrsi %scan3A_72, %shift_right_arithmetic3A_565 : i32
        %mul3A_567 = arith.constant 16 : i32
        %mul3A_568 = arith.muli %shift_right_arithmetic3A_566, %mul3A_567 : i32
        %get3A_569 = arith.index_cast %mul3A_568 : i32 to index
        %get3A_570 = tpu.vector_load %arg7[%get3A_569] {strides = array<i32>} : memref<528xi32, #tpu.memory_space<vmem>>, vector<16xi32>,
        %get3A_571 = vector.shape_cast %get3A_570 : vector<16xi32> to vector<16xi32>
        %dma_start3A_572 = arith.constant 0 : i32
        %dma_start3A_573 = arith.constant 0 : i32
        %dma_start3A_574 = tpu.memref_slice %arg5[%dma_start3A_572, %dma_start3A_573] : memref<16384x768xf32, #tpu.memory_space<hbm>> -> memref<16384x768xf32, #tpu.memory_space<hbm>>
        tpu.enqueue_indirect_dma source(%arg9 : memref<16x768xf32, #tpu.memory_space<vmem>>) target(%dma_start3A_574 : memref<16384x768xf32, #tpu.memory_space<hbm>>) offsets(%get3A_571 : vector<16xi32>) semaphore(%arg11 : memref<!tpu.dma_semaphore, #tpu.memory_space<semaphore_mem>>)
      } else {
      }
      %shift_right_arithmetic3A_555 = arith.constant 4 : i32
      %shift_right_arithmetic3A_556 = arith.shrsi %add3A_544, %shift_right_arithmetic3A_555 : i32
      %shift_right_arithmetic3A_557 = arith.constant 4 : i32
      %shift_right_arithmetic3A_558 = arith.shrsi %scan3A_73, %shift_right_arithmetic3A_557 : i32
      %sub3A_559 = arith.subi %shift_right_arithmetic3A_556, %shift_right_arithmetic3A_558 : i32
      %eq3A_560 = arith.constant 1 : i32
      %eq3A_561 = arith.cmpi eq, %sub3A_559, %eq3A_560 : i32
      %convert_element_type3A_562 = arith.extui %eq3A_561 : i1 to i32
      %cond3A_563 = arith.constant 0 : i32
      %cond3A_564 = arith.cmpi ne, %convert_element_type3A_562, %cond3A_563 : i32
      scf.if %cond3A_564 {
        %shift_right_arithmetic3A_565 = arith.constant 4 : i32
        %shift_right_arithmetic3A_566 = arith.shrsi %scan3A_73, %shift_right_arithmetic3A_565 : i32
        %mul3A_567 = arith.constant 16 : i32
        %mul3A_568 = arith.muli %shift_right_arithmetic3A_566, %mul3A_567 : i32
        %get3A_569 = arith.index_cast %mul3A_568 : i32 to index
        %get3A_570 = tpu.vector_load %arg8[%get3A_569] {strides = array<i32>} : memref<528xi32, #tpu.memory_space<vmem>>, vector<16xi32>,
        %get3A_571 = vector.shape_cast %get3A_570 : vector<16xi32> to vector<16xi32>
        %ge3A = arith.constant 9 : i32
        %ge3A_572 = arith.cmpi sge, %shift_right_arithmetic3A_566, %ge3A : i32
        %convert_element_type3A_573 = arith.extui %ge3A_572 : i1 to i32
        %cond3A_574 = arith.constant 0 : i32
        %cond3A_575 = arith.cmpi ne, %convert_element_type3A_573, %cond3A_574 : i32
        scf.if %cond3A_575 {
          %dma_wait3A_602 = arith.constant 0 : i32
          %dma_wait3A_603 = arith.constant 0 : i32
          %dma_wait3A_604 = tpu.memref_slice %arg10[%dma_wait3A_602, %dma_wait3A_603] : memref<144x768xf32, #tpu.memory_space<vmem>> -> memref<16x768xf32, #tpu.memory_space<vmem>>
          %dma_wait3A_605 = arith.constant 0 : i32
          %dma_wait3A_606 = arith.constant 0 : i32
          %dma_wait3A_607 = tpu.memref_slice %arg5[%dma_wait3A_605, %dma_wait3A_606] : memref<16384x768xf32, #tpu.memory_space<hbm>> -> memref<16x768xf32, #tpu.memory_space<hbm>>
          %dma_wait3A_608 = arith.constant 0 : i32
          %dma_wait3A_609 = arith.constant 0 : i32
          %dma_wait3A_610 = tpu.memref_slice %arg5[%dma_wait3A_608, %dma_wait3A_609] : memref<16384x768xf32, #tpu.memory_space<hbm>> -> memref<16x768xf32, #tpu.memory_space<hbm>>
          %dma_wait3A_611 = arith.constant 0 : i32
          %dma_wait3A_612 = arith.constant 0 : i32
          %dma_wait3A_613 = tpu.memref_slice %arg10[%dma_wait3A_611, %dma_wait3A_612] : memref<144x768xf32, #tpu.memory_space<vmem>> -> memref<16x768xf32, #tpu.memory_space<vmem>>
          tpu.wait_dma2 semaphore(%arg13 : memref<!tpu.dma_semaphore, #tpu.memory_space<semaphore_mem>>) src(%dma_wait3A_613 : memref<16x768xf32, #tpu.memory_space<vmem>>) dst(%dma_wait3A_610 : memref<16x768xf32, #tpu.memory_space<hbm>>)
        } else {
        }
        %jit3A_576 = arith.constant 9 : i32
        %eq3A_577 = arith.constant 0 : i32
        %eq3A_578 = arith.cmpi eq, %jit3A_576, %eq3A_577 : i32
        %jit3A_579 = arith.constant 1 : i32
        %select_n3A_580 = arith.select %eq3A_578, %jit3A_579, %jit3A_576 : i32
        %rem3A = arith.remsi %shift_right_arithmetic3A_566, %select_n3A_580 : i32
        %ne3A_581 = arith.constant 0 : i32
        %ne3A_582 = arith.cmpi ne, %rem3A, %ne3A_581 : i32
        %lt3A = arith.constant 0 : i32
        %lt3A_583 = arith.cmpi slt, %rem3A, %lt3A : i32
        %lt3A_584 = arith.constant 0 : i32
        %lt3A_585 = arith.cmpi slt, %select_n3A_580, %lt3A_584 : i32
        %ne3A_586 = arith.xori %lt3A_583, %lt3A_585 : i1
        %and3A_587 = arith.andi %ne3A_586, %ne3A_582 : i1
        %add3A_588 = arith.addi %rem3A, %select_n3A_580 : i32
        %select_n3A_589 = arith.select %and3A_587, %add3A_588, %rem3A : i32
        %mul3A_590 = arith.constant 16 : i32
        %mul3A_591 = arith.muli %select_n3A_589, %mul3A_590 : i32
        %dma_start3A_592 = arith.constant 0 : i32
        %dma_start3A_593 = tpu.memref_slice %arg10[%mul3A_591, %dma_start3A_592] : memref<144x768xf32, #tpu.memory_space<vmem>> -> memref<16x768xf32, #tpu.memory_space<vmem>>
        %dma_start3A_594 = arith.constant 0 : i32
        %dma_start3A_595 = arith.constant 0 : i32
        %dma_start3A_596 = tpu.memref_slice %arg2[%dma_start3A_594, %dma_start3A_595] : memref<16384x768xf32, #tpu.memory_space<hbm>> -> memref<16384x768xf32, #tpu.memory_space<hbm>>
        tpu.enqueue_indirect_dma source(%dma_start3A_596 : memref<16384x768xf32, #tpu.memory_space<hbm>>) target(%dma_start3A_593 : memref<16x768xf32, #tpu.memory_space<vmem>>) offsets(%get3A_571 : vector<16xi32>) semaphore(%arg12 : memref<!tpu.dma_semaphore, #tpu.memory_space<semaphore_mem>>)
        %ge3A_597 = arith.constant 7 : i32
        %ge3A_598 = arith.cmpi sge, %shift_right_arithmetic3A_566, %ge3A_597 : i32
        %convert_element_type3A_599 = arith.extui %ge3A_598 : i1 to i32
        %cond3A_600 = arith.constant 0 : i32
        %cond3A_601 = arith.cmpi ne, %convert_element_type3A_599, %cond3A_600 : i32
        scf.if %cond3A_601 {
          %dma_wait3A_602 = arith.constant 0 : i32
          %dma_wait3A_603 = arith.constant 0 : i32
          %dma_wait3A_604 = tpu.memref_slice %arg10[%dma_wait3A_602, %dma_wait3A_603] : memref<144x768xf32, #tpu.memory_space<vmem>> -> memref<16x768xf32, #tpu.memory_space<vmem>>
          %dma_wait3A_605 = arith.constant 0 : i32
          %dma_wait3A_606 = arith.constant 0 : i32
          %dma_wait3A_607 = tpu.memref_slice %arg2[%dma_wait3A_605, %dma_wait3A_606] : memref<16384x768xf32, #tpu.memory_space<hbm>> -> memref<16x768xf32, #tpu.memory_space<hbm>>
          %dma_wait3A_608 = arith.constant 0 : i32
          %dma_wait3A_609 = arith.constant 0 : i32
          %dma_wait3A_610 = tpu.memref_slice %arg10[%dma_wait3A_608, %dma_wait3A_609] : memref<144x768xf32, #tpu.memory_space<vmem>> -> memref<16x768xf32, #tpu.memory_space<vmem>>
          %dma_wait3A_611 = arith.constant 0 : i32
          %dma_wait3A_612 = arith.constant 0 : i32
          %dma_wait3A_613 = tpu.memref_slice %arg2[%dma_wait3A_611, %dma_wait3A_612] : memref<16384x768xf32, #tpu.memory_space<hbm>> -> memref<16x768xf32, #tpu.memory_space<hbm>>
          tpu.wait_dma2 semaphore(%arg12 : memref<!tpu.dma_semaphore, #tpu.memory_space<semaphore_mem>>) src(%dma_wait3A_613 : memref<16x768xf32, #tpu.memory_space<hbm>>) dst(%dma_wait3A_610 : memref<16x768xf32, #tpu.memory_space<vmem>>)
          %sub3A_614 = arith.constant 7 : i32
          %sub3A_615 = arith.subi %shift_right_arithmetic3A_566, %sub3A_614 : i32
          %mul3A_616 = arith.constant 16 : i32
          %mul3A_617 = arith.muli %sub3A_615, %mul3A_616 : i32
          %get3A_618 = arith.index_cast %mul3A_617 : i32 to index
          %get3A_619 = tpu.vector_load %arg8[%get3A_618] {strides = array<i32>} : memref<528xi32, #tpu.memory_space<vmem>>, vector<16xi32>,
          %get3A_620 = vector.shape_cast %get3A_619 : vector<16xi32> to vector<16xi32>
          %sub3A_621 = arith.constant 7 : i32
          %sub3A_622 = arith.subi %shift_right_arithmetic3A_566, %sub3A_621 : i32
          %jit3A_623 = arith.constant 9 : i32
          %eq3A_624 = arith.constant 0 : i32
          %eq3A_625 = arith.cmpi eq, %jit3A_623, %eq3A_624 : i32
          %jit3A_626 = arith.constant 1 : i32
          %select_n3A_627 = arith.select %eq3A_625, %jit3A_626, %jit3A_623 : i32
          %rem3A_628 = arith.remsi %sub3A_622, %select_n3A_627 : i32
          %ne3A_629 = arith.constant 0 : i32
          %ne3A_630 = arith.cmpi ne, %rem3A_628, %ne3A_629 : i32
          %lt3A_631 = arith.constant 0 : i32
          %lt3A_632 = arith.cmpi slt, %rem3A_628, %lt3A_631 : i32
          %lt3A_633 = arith.constant 0 : i32
          %lt3A_634 = arith.cmpi slt, %select_n3A_627, %lt3A_633 : i32
          %ne3A_635 = arith.xori %lt3A_632, %lt3A_634 : i1
          %and3A_636 = arith.andi %ne3A_635, %ne3A_630 : i1
          %add3A_637 = arith.addi %rem3A_628, %select_n3A_627 : i32
          %select_n3A_638 = arith.select %and3A_636, %add3A_637, %rem3A_628 : i32
          %mul3A_639 = arith.constant 16 : i32
          %mul3A_640 = arith.muli %select_n3A_638, %mul3A_639 : i32
          %dma_start3A_641 = arith.constant 0 : i32
          %dma_start3A_642 = tpu.memref_slice %arg10[%mul3A_640, %dma_start3A_641] : memref<144x768xf32, #tpu.memory_space<vmem>> -> memref<16x768xf32, #tpu.memory_space<vmem>>
          %dma_start3A_643 = arith.constant 0 : i32
          %dma_start3A_644 = arith.constant 0 : i32
          %dma_start3A_645 = tpu.memref_slice %arg5[%dma_start3A_643, %dma_start3A_644] : memref<16384x768xf32, #tpu.memory_space<hbm>> -> memref<16384x768xf32, #tpu.memory_space<hbm>>
          tpu.enqueue_indirect_dma source(%dma_start3A_642 : memref<16x768xf32, #tpu.memory_space<vmem>>) target(%dma_start3A_645 : memref<16384x768xf32, #tpu.memory_space<hbm>>) offsets(%get3A_620 : vector<16xi32>) semaphore(%arg13 : memref<!tpu.dma_semaphore, #tpu.memory_space<semaphore_mem>>)
        } else {
        }
      } else {
      }
      scf.yield %add3A_543, %add3A_544 : i32, i32
    }
    %scan3A_12 = arith.constant 32 : i32
    %and3A = arith.constant 15 : i32
    %and3A_13 = arith.andi %scan3A_11#0, %and3A : i32
    %ne3A = arith.constant 0 : i32
    %ne3A_14 = arith.cmpi ne, %and3A_13, %ne3A : i32
    %convert_element_type3A = arith.extui %ne3A_14 : i1 to i32
    %cond3A = arith.constant 0 : i32
    %cond3A_15 = arith.cmpi ne, %convert_element_type3A, %cond3A : i32
    scf.if %cond3A_15 {
      %shift_right_arithmetic3A_71 = arith.constant 4 : i32
      %shift_right_arithmetic3A_72 = arith.shrsi %scan3A_11#0, %shift_right_arithmetic3A_71 : i32
      %mul3A_73 = arith.constant 16 : i32
      %mul3A_74 = arith.muli %shift_right_arithmetic3A_72, %mul3A_73 : i32
      %get3A = arith.index_cast %mul3A_74 : i32 to index
      %get3A_75 = tpu.vector_load %arg7[%get3A] {strides = array<i32>} : memref<528xi32, #tpu.memory_space<vmem>>, vector<16xi32>,
      %get3A_76 = vector.shape_cast %get3A_75 : vector<16xi32> to vector<16xi32>
      %lt3A = vector.broadcast %and3A_13 : i32 to vector<16xi32>
      %lt3A_77 = arith.cmpi slt, %iota3A, %lt3A : vector<16xi32>
      %slice3A = vector.extract_strided_slice %get3A_76 {offsets = [0], sizes = [1], strides = [1]} : vector<16xi32> to vector<1xi32>
      %squeeze3A = vector.extract %slice3A[0] : i32 from vector<1xi32>
      %broadcast_in_dim3A_78 = vector.broadcast %squeeze3A : i32 to vector<16xi32>
      %select_n3A = arith.select %lt3A_77, %get3A_76, %broadcast_in_dim3A_78 : vector<16xi1>, vector<16xi32>
      %dma_start3A_79 = arith.constant 0 : i32
      %dma_start3A_80 = arith.constant 0 : i32
      %dma_start3A_81 = tpu.memref_slice %arg5[%dma_start3A_79, %dma_start3A_80] : memref<16384x768xf32, #tpu.memory_space<hbm>> -> memref<16384x768xf32, #tpu.memory_space<hbm>>
      tpu.enqueue_indirect_dma source(%arg9 : memref<16x768xf32, #tpu.memory_space<vmem>>) target(%dma_start3A_81 : memref<16384x768xf32, #tpu.memory_space<hbm>>) offsets(%select_n3A : vector<16xi32>) semaphore(%arg11 : memref<!tpu.dma_semaphore, #tpu.memory_space<semaphore_mem>>)
    } else {
    }
    %and3A_16 = arith.constant 15 : i32
    %and3A_17 = arith.andi %scan3A_11#1, %and3A_16 : i32
    %ne3A_18 = arith.constant 0 : i32
    %ne3A_19 = arith.cmpi ne, %and3A_17, %ne3A_18 : i32
    %convert_element_type3A_20 = arith.extui %ne3A_19 : i1 to i32
    %cond3A_21 = arith.constant 0 : i32
    %cond3A_22 = arith.cmpi ne, %convert_element_type3A_20, %cond3A_21 : i32
    scf.if %cond3A_22 {
      %shift_right_arithmetic3A_71 = arith.constant 4 : i32
      %shift_right_arithmetic3A_72 = arith.shrsi %scan3A_11#1, %shift_right_arithmetic3A_71 : i32
      %mul3A_73 = arith.constant 16 : i32
      %mul3A_74 = arith.muli %shift_right_arithmetic3A_72, %mul3A_73 : i32
      %get3A = arith.index_cast %mul3A_74 : i32 to index
      %get3A_75 = tpu.vector_load %arg8[%get3A] {strides = array<i32>} : memref<528xi32, #tpu.memory_space<vmem>>, vector<16xi32>,
      %get3A_76 = vector.shape_cast %get3A_75 : vector<16xi32> to vector<16xi32>
      %lt3A = vector.broadcast %and3A_17 : i32 to vector<16xi32>
      %lt3A_77 = arith.cmpi slt, %iota3A, %lt3A : vector<16xi32>
      %slice3A = vector.extract_strided_slice %get3A_76 {offsets = [0], sizes = [1], strides = [1]} : vector<16xi32> to vector<1xi32>
      %squeeze3A = vector.extract %slice3A[0] : i32 from vector<1xi32>
      %broadcast_in_dim3A_78 = vector.broadcast %squeeze3A : i32 to vector<16xi32>
      %select_n3A = arith.select %lt3A_77, %get3A_76, %broadcast_in_dim3A_78 : vector<16xi1>, vector<16xi32>
      %shift_right_arithmetic3A_79 = arith.constant 4 : i32
      %shift_right_arithmetic3A_80 = arith.shrsi %scan3A_11#1, %shift_right_arithmetic3A_79 : i32
      %mul3A_81 = arith.constant 16 : i32
      %mul3A_82 = arith.muli %shift_right_arithmetic3A_80, %mul3A_81 : i32
      %swap3A = arith.index_cast %mul3A_82 : i32 to index
      %swap3A_83 = tpu.vector_load %arg8[%swap3A] {strides = array<i32>} : memref<528xi32, #tpu.memory_space<vmem>>, vector<16xi32>,
      %swap3A_84 = vector.shape_cast %swap3A_83 : vector<16xi32> to vector<16xi32>
      %swap3A_85 = vector.shape_cast %select_n3A : vector<16xi32> to vector<16xi32>
      tpu.vector_store %arg8[%swap3A], %swap3A_85 {strides = array<i32>} : memref<528xi32, #tpu.memory_space<vmem>>, vector<16xi32>,
      %shift_right_arithmetic3A_86 = arith.constant 4 : i32
      %shift_right_arithmetic3A_87 = arith.shrsi %scan3A_11#1, %shift_right_arithmetic3A_86 : i32
      %mul3A_88 = arith.constant 16 : i32
      %mul3A_89 = arith.muli %shift_right_arithmetic3A_87, %mul3A_88 : i32
      %get3A_90 = arith.index_cast %mul3A_89 : i32 to index
      %get3A_91 = tpu.vector_load %arg8[%get3A_90] {strides = array<i32>} : memref<528xi32, #tpu.memory_space<vmem>>, vector<16xi32>,
      %get3A_92 = vector.shape_cast %get3A_91 : vector<16xi32> to vector<16xi32>
      %ge3A = arith.constant 9 : i32
      %ge3A_93 = arith.cmpi sge, %shift_right_arithmetic3A_87, %ge3A : i32
      %convert_element_type3A_94 = arith.extui %ge3A_93 : i1 to i32
      %cond3A_95 = arith.constant 0 : i32
      %cond3A_96 = arith.cmpi ne, %convert_element_type3A_94, %cond3A_95 : i32
      scf.if %cond3A_96 {
        %dma_wait3A_122 = arith.constant 0 : i32
        %dma_wait3A_123 = arith.constant 0 : i32
        %dma_wait3A_124 = tpu.memref_slice %arg10[%dma_wait3A_122, %dma_wait3A_123] : memref<144x768xf32, #tpu.memory_space<vmem>> -> memref<16x768xf32, #tpu.memory_space<vmem>>
        %dma_wait3A_125 = arith.constant 0 : i32
        %dma_wait3A_126 = arith.constant 0 : i32
        %dma_wait3A_127 = tpu.memref_slice %arg5[%dma_wait3A_125, %dma_wait3A_126] : memref<16384x768xf32, #tpu.memory_space<hbm>> -> memref<16x768xf32, #tpu.memory_space<hbm>>
        %dma_wait3A_128 = arith.constant 0 : i32
        %dma_wait3A_129 = arith.constant 0 : i32
        %dma_wait3A_130 = tpu.memref_slice %arg5[%dma_wait3A_128, %dma_wait3A_129] : memref<16384x768xf32, #tpu.memory_space<hbm>> -> memref<16x768xf32, #tpu.memory_space<hbm>>
        %dma_wait3A_131 = arith.constant 0 : i32
        %dma_wait3A_132 = arith.constant 0 : i32
        %dma_wait3A_133 = tpu.memref_slice %arg10[%dma_wait3A_131, %dma_wait3A_132] : memref<144x768xf32, #tpu.memory_space<vmem>> -> memref<16x768xf32, #tpu.memory_space<vmem>>
        tpu.wait_dma2 semaphore(%arg13 : memref<!tpu.dma_semaphore, #tpu.memory_space<semaphore_mem>>) src(%dma_wait3A_133 : memref<16x768xf32, #tpu.memory_space<vmem>>) dst(%dma_wait3A_130 : memref<16x768xf32, #tpu.memory_space<hbm>>)
      } else {
      }
      %jit3A = arith.constant 9 : i32
      %eq3A = arith.constant 0 : i32
      %eq3A_97 = arith.cmpi eq, %jit3A, %eq3A : i32
      %jit3A_98 = arith.constant 1 : i32
      %select_n3A_99 = arith.select %eq3A_97, %jit3A_98, %jit3A : i32
      %rem3A = arith.remsi %shift_right_arithmetic3A_87, %select_n3A_99 : i32
      %ne3A_100 = arith.constant 0 : i32
      %ne3A_101 = arith.cmpi ne, %rem3A, %ne3A_100 : i32
      %lt3A_102 = arith.constant 0 : i32
      %lt3A_103 = arith.cmpi slt, %rem3A, %lt3A_102 : i32
      %lt3A_104 = arith.constant 0 : i32
      %lt3A_105 = arith.cmpi slt, %select_n3A_99, %lt3A_104 : i32
      %ne3A_106 = arith.xori %lt3A_103, %lt3A_105 : i1
      %and3A_107 = arith.andi %ne3A_106, %ne3A_101 : i1
      %add3A_108 = arith.addi %rem3A, %select_n3A_99 : i32
      %select_n3A_109 = arith.select %and3A_107, %add3A_108, %rem3A : i32
      %mul3A_110 = arith.constant 16 : i32
      %mul3A_111 = arith.muli %select_n3A_109, %mul3A_110 : i32
      %dma_start3A_112 = arith.constant 0 : i32
      %dma_start3A_113 = tpu.memref_slice %arg10[%mul3A_111, %dma_start3A_112] : memref<144x768xf32, #tpu.memory_space<vmem>> -> memref<16x768xf32, #tpu.memory_space<vmem>>
      %dma_start3A_114 = arith.constant 0 : i32
      %dma_start3A_115 = arith.constant 0 : i32
      %dma_start3A_116 = tpu.memref_slice %arg2[%dma_start3A_114, %dma_start3A_115] : memref<16384x768xf32, #tpu.memory_space<hbm>> -> memref<16384x768xf32, #tpu.memory_space<hbm>>
      tpu.enqueue_indirect_dma source(%dma_start3A_116 : memref<16384x768xf32, #tpu.memory_space<hbm>>) target(%dma_start3A_113 : memref<16x768xf32, #tpu.memory_space<vmem>>) offsets(%get3A_92 : vector<16xi32>) semaphore(%arg12 : memref<!tpu.dma_semaphore, #tpu.memory_space<semaphore_mem>>)
      %ge3A_117 = arith.constant 7 : i32
      %ge3A_118 = arith.cmpi sge, %shift_right_arithmetic3A_87, %ge3A_117 : i32
      %convert_element_type3A_119 = arith.extui %ge3A_118 : i1 to i32
      %cond3A_120 = arith.constant 0 : i32
      %cond3A_121 = arith.cmpi ne, %convert_element_type3A_119, %cond3A_120 : i32
      scf.if %cond3A_121 {
        %dma_wait3A_122 = arith.constant 0 : i32
        %dma_wait3A_123 = arith.constant 0 : i32
        %dma_wait3A_124 = tpu.memref_slice %arg10[%dma_wait3A_122, %dma_wait3A_123] : memref<144x768xf32, #tpu.memory_space<vmem>> -> memref<16x768xf32, #tpu.memory_space<vmem>>
        %dma_wait3A_125 = arith.constant 0 : i32
        %dma_wait3A_126 = arith.constant 0 : i32
        %dma_wait3A_127 = tpu.memref_slice %arg2[%dma_wait3A_125, %dma_wait3A_126] : memref<16384x768xf32, #tpu.memory_space<hbm>> -> memref<16x768xf32, #tpu.memory_space<hbm>>
        %dma_wait3A_128 = arith.constant 0 : i32
        %dma_wait3A_129 = arith.constant 0 : i32
        %dma_wait3A_130 = tpu.memref_slice %arg10[%dma_wait3A_128, %dma_wait3A_129] : memref<144x768xf32, #tpu.memory_space<vmem>> -> memref<16x768xf32, #tpu.memory_space<vmem>>
        %dma_wait3A_131 = arith.constant 0 : i32
        %dma_wait3A_132 = arith.constant 0 : i32
        %dma_wait3A_133 = tpu.memref_slice %arg2[%dma_wait3A_131, %dma_wait3A_132] : memref<16384x768xf32, #tpu.memory_space<hbm>> -> memref<16x768xf32, #tpu.memory_space<hbm>>
        tpu.wait_dma2 semaphore(%arg12 : memref<!tpu.dma_semaphore, #tpu.memory_space<semaphore_mem>>) src(%dma_wait3A_133 : memref<16x768xf32, #tpu.memory_space<hbm>>) dst(%dma_wait3A_130 : memref<16x768xf32, #tpu.memory_space<vmem>>)
        %sub3A_134 = arith.constant 7 : i32
        %sub3A_135 = arith.subi %shift_right_arithmetic3A_87, %sub3A_134 : i32
        %mul3A_136 = arith.constant 16 : i32
        %mul3A_137 = arith.muli %sub3A_135, %mul3A_136 : i32
        %get3A_138 = arith.index_cast %mul3A_137 : i32 to index
        %get3A_139 = tpu.vector_load %arg8[%get3A_138] {strides = array<i32>} : memref<528xi32, #tpu.memory_space<vmem>>, vector<16xi32>,
        %get3A_140 = vector.shape_cast %get3A_139 : vector<16xi32> to vector<16xi32>
        %sub3A_141 = arith.constant 7 : i32
        %sub3A_142 = arith.subi %shift_right_arithmetic3A_87, %sub3A_141 : i32
        %jit3A_143 = arith.constant 9 : i32
        %eq3A_144 = arith.constant 0 : i32
        %eq3A_145 = arith.cmpi eq, %jit3A_143, %eq3A_144 : i32
        %jit3A_146 = arith.constant 1 : i32
        %select_n3A_147 = arith.select %eq3A_145, %jit3A_146, %jit3A_143 : i32
        %rem3A_148 = arith.remsi %sub3A_142, %select_n3A_147 : i32
        %ne3A_149 = arith.constant 0 : i32
        %ne3A_150 = arith.cmpi ne, %rem3A_148, %ne3A_149 : i32
        %lt3A_151 = arith.constant 0 : i32
        %lt3A_152 = arith.cmpi slt, %rem3A_148, %lt3A_151 : i32
        %lt3A_153 = arith.constant 0 : i32
        %lt3A_154 = arith.cmpi slt, %select_n3A_147, %lt3A_153 : i32
        %ne3A_155 = arith.xori %lt3A_152, %lt3A_154 : i1
        %and3A_156 = arith.andi %ne3A_155, %ne3A_150 : i1
        %add3A_157 = arith.addi %rem3A_148, %select_n3A_147 : i32
        %select_n3A_158 = arith.select %and3A_156, %add3A_157, %rem3A_148 : i32
        %mul3A_159 = arith.constant 16 : i32
        %mul3A_160 = arith.muli %select_n3A_158, %mul3A_159 : i32
        %dma_start3A_161 = arith.constant 0 : i32
        %dma_start3A_162 = tpu.memref_slice %arg10[%mul3A_160, %dma_start3A_161] : memref<144x768xf32, #tpu.memory_space<vmem>> -> memref<16x768xf32, #tpu.memory_space<vmem>>
        %dma_start3A_163 = arith.constant 0 : i32
        %dma_start3A_164 = arith.constant 0 : i32
        %dma_start3A_165 = tpu.memref_slice %arg5[%dma_start3A_163, %dma_start3A_164] : memref<16384x768xf32, #tpu.memory_space<hbm>> -> memref<16384x768xf32, #tpu.memory_space<hbm>>
        tpu.enqueue_indirect_dma source(%dma_start3A_162 : memref<16x768xf32, #tpu.memory_space<vmem>>) target(%dma_start3A_165 : memref<16384x768xf32, #tpu.memory_space<hbm>>) offsets(%get3A_140 : vector<16xi32>) semaphore(%arg13 : memref<!tpu.dma_semaphore, #tpu.memory_space<semaphore_mem>>)
      } else {
      }
    } else {
    }
    %add3A_23 = arith.constant 16 : i32
    %add3A_24 = arith.addi %scan3A_11#1, %add3A_23 : i32
    %sub3A = arith.constant 1 : i32
    %sub3A_25 = arith.subi %add3A_24, %sub3A : i32
    %shift_right_arithmetic3A = arith.constant 4 : i32
    %shift_right_arithmetic3A_26 = arith.shrsi %sub3A_25, %shift_right_arithmetic3A : i32
    %add3A_27 = arith.constant 16 : i32
    %add3A_28 = arith.addi %scan3A_11#0, %add3A_27 : i32
    %sub3A_29 = arith.constant 1 : i32
    %sub3A_30 = arith.subi %add3A_28, %sub3A_29 : i32
    %shift_right_arithmetic3A_31 = arith.constant 4 : i32
    %shift_right_arithmetic3A_32 = arith.shrsi %sub3A_30, %shift_right_arithmetic3A_31 : i32
    %sub3A_33 = arith.constant 7 : i32
    %sub3A_34 = arith.subi %shift_right_arithmetic3A_26, %sub3A_33 : i32
    %max3A = arith.constant 0 : i32
    %max3A_35 = arith.maxsi %sub3A_34, %max3A : i32
    %while3A = arith.constant 0 : i32
    %while3A_36 = arith.subi %shift_right_arithmetic3A_26, %max3A_35 : i32
    %while3A_37 = arith.addi %max3A_35, %while3A_36 : i32
    %while3A_38 = arith.constant 1 : i32
    %while3A_39 = arith.divsi %while3A_36, %while3A_38 : i32
    %while3A_40 = arith.muli %while3A_39, %while3A_38 : i32
    %while3A_41 = arith.addi %max3A_35, %while3A_40 : i32
    %while3A_42 = arith.constant 1 : i32
    %while3A_43 = scf.for %while3A_71 = %max3A_35 to %while3A_41 step %while3A_42 iter_args(%while3A_72 = %while3A) -> (i32)  : i32 {
      %dma_wait3A_73 = arith.constant 0 : i32
      %dma_wait3A_74 = arith.constant 0 : i32
      %dma_wait3A_75 = tpu.memref_slice %arg10[%dma_wait3A_73, %dma_wait3A_74] : memref<144x768xf32, #tpu.memory_space<vmem>> -> memref<16x768xf32, #tpu.memory_space<vmem>>
      %dma_wait3A_76 = arith.constant 0 : i32
      %dma_wait3A_77 = arith.constant 0 : i32
      %dma_wait3A_78 = tpu.memref_slice %arg2[%dma_wait3A_76, %dma_wait3A_77] : memref<16384x768xf32, #tpu.memory_space<hbm>> -> memref<16x768xf32, #tpu.memory_space<hbm>>
      %dma_wait3A_79 = arith.constant 0 : i32
      %dma_wait3A_80 = arith.constant 0 : i32
      %dma_wait3A_81 = tpu.memref_slice %arg10[%dma_wait3A_79, %dma_wait3A_80] : memref<144x768xf32, #tpu.memory_space<vmem>> -> memref<16x768xf32, #tpu.memory_space<vmem>>
      %dma_wait3A_82 = arith.constant 0 : i32
      %dma_wait3A_83 = arith.constant 0 : i32
      %dma_wait3A_84 = tpu.memref_slice %arg2[%dma_wait3A_82, %dma_wait3A_83] : memref<16384x768xf32, #tpu.memory_space<hbm>> -> memref<16x768xf32, #tpu.memory_space<hbm>>
      tpu.wait_dma2 semaphore(%arg12 : memref<!tpu.dma_semaphore, #tpu.memory_space<semaphore_mem>>) src(%dma_wait3A_84 : memref<16x768xf32, #tpu.memory_space<hbm>>) dst(%dma_wait3A_81 : memref<16x768xf32, #tpu.memory_space<vmem>>)
      %mul3A_85 = arith.constant 16 : i32
      %mul3A_86 = arith.muli %while3A_71, %mul3A_85 : i32
      %get3A = arith.index_cast %mul3A_86 : i32 to index
      %get3A_87 = tpu.vector_load %arg8[%get3A] {strides = array<i32>} : memref<528xi32, #tpu.memory_space<vmem>>, vector<16xi32>,
      %get3A_88 = vector.shape_cast %get3A_87 : vector<16xi32> to vector<16xi32>
      %jit3A = arith.constant 9 : i32
      %eq3A = arith.constant 0 : i32
      %eq3A_89 = arith.cmpi eq, %jit3A, %eq3A : i32
      %jit3A_90 = arith.constant 1 : i32
      %select_n3A = arith.select %eq3A_89, %jit3A_90, %jit3A : i32
      %rem3A = arith.remsi %while3A_71, %select_n3A : i32
      %ne3A_91 = arith.constant 0 : i32
      %ne3A_92 = arith.cmpi ne, %rem3A, %ne3A_91 : i32
      %lt3A = arith.constant 0 : i32
      %lt3A_93 = arith.cmpi slt, %rem3A, %lt3A : i32
      %lt3A_94 = arith.constant 0 : i32
      %lt3A_95 = arith.cmpi slt, %select_n3A, %lt3A_94 : i32
      %ne3A_96 = arith.xori %lt3A_93, %lt3A_95 : i1
      %and3A_97 = arith.andi %ne3A_96, %ne3A_92 : i1
      %add3A_98 = arith.addi %rem3A, %select_n3A : i32
      %select_n3A_99 = arith.select %and3A_97, %add3A_98, %rem3A : i32
      %mul3A_100 = arith.constant 16 : i32
      %mul3A_101 = arith.muli %select_n3A_99, %mul3A_100 : i32
      %dma_start3A_102 = arith.constant 0 : i32
      %dma_start3A_103 = tpu.memref_slice %arg10[%mul3A_101, %dma_start3A_102] : memref<144x768xf32, #tpu.memory_space<vmem>> -> memref<16x768xf32, #tpu.memory_space<vmem>>
      %dma_start3A_104 = arith.constant 0 : i32
      %dma_start3A_105 = arith.constant 0 : i32
      %dma_start3A_106 = tpu.memref_slice %arg5[%dma_start3A_104, %dma_start3A_105] : memref<16384x768xf32, #tpu.memory_space<hbm>> -> memref<16384x768xf32, #tpu.memory_space<hbm>>
      tpu.enqueue_indirect_dma source(%dma_start3A_103 : memref<16x768xf32, #tpu.memory_space<vmem>>) target(%dma_start3A_106 : memref<16384x768xf32, #tpu.memory_space<hbm>>) offsets(%get3A_88 : vector<16xi32>) semaphore(%arg13 : memref<!tpu.dma_semaphore, #tpu.memory_space<semaphore_mem>>)
      %while3A_107 = arith.constant 0 : i32
      scf.yield %while3A_107 : i32
    }
    %while3A_44 = arith.constant 1 : i32
    %while3A_45 = scf.for %while3A_71 = %while3A_41 to %while3A_37 step %while3A_44 iter_args(%while3A_72 = %while3A_43) -> (i32)  : i32 {
      %dma_wait3A_73 = arith.constant 0 : i32
      %dma_wait3A_74 = arith.constant 0 : i32
      %dma_wait3A_75 = tpu.memref_slice %arg10[%dma_wait3A_73, %dma_wait3A_74] : memref<144x768xf32, #tpu.memory_space<vmem>> -> memref<16x768xf32, #tpu.memory_space<vmem>>
      %dma_wait3A_76 = arith.constant 0 : i32
      %dma_wait3A_77 = arith.constant 0 : i32
      %dma_wait3A_78 = tpu.memref_slice %arg2[%dma_wait3A_76, %dma_wait3A_77] : memref<16384x768xf32, #tpu.memory_space<hbm>> -> memref<16x768xf32, #tpu.memory_space<hbm>>
      %dma_wait3A_79 = arith.constant 0 : i32
      %dma_wait3A_80 = arith.constant 0 : i32
      %dma_wait3A_81 = tpu.memref_slice %arg10[%dma_wait3A_79, %dma_wait3A_80] : memref<144x768xf32, #tpu.memory_space<vmem>> -> memref<16x768xf32, #tpu.memory_space<vmem>>
      %dma_wait3A_82 = arith.constant 0 : i32
      %dma_wait3A_83 = arith.constant 0 : i32
      %dma_wait3A_84 = tpu.memref_slice %arg2[%dma_wait3A_82, %dma_wait3A_83] : memref<16384x768xf32, #tpu.memory_space<hbm>> -> memref<16x768xf32, #tpu.memory_space<hbm>>
      tpu.wait_dma2 semaphore(%arg12 : memref<!tpu.dma_semaphore, #tpu.memory_space<semaphore_mem>>) src(%dma_wait3A_84 : memref<16x768xf32, #tpu.memory_space<hbm>>) dst(%dma_wait3A_81 : memref<16x768xf32, #tpu.memory_space<vmem>>)
      %mul3A_85 = arith.constant 16 : i32
      %mul3A_86 = arith.muli %while3A_71, %mul3A_85 : i32
      %get3A = arith.index_cast %mul3A_86 : i32 to index
      %get3A_87 = tpu.vector_load %arg8[%get3A] {strides = array<i32>} : memref<528xi32, #tpu.memory_space<vmem>>, vector<16xi32>,
      %get3A_88 = vector.shape_cast %get3A_87 : vector<16xi32> to vector<16xi32>
      %jit3A = arith.constant 9 : i32
      %eq3A = arith.constant 0 : i32
      %eq3A_89 = arith.cmpi eq, %jit3A, %eq3A : i32
      %jit3A_90 = arith.constant 1 : i32
      %select_n3A = arith.select %eq3A_89, %jit3A_90, %jit3A : i32
      %rem3A = arith.remsi %while3A_71, %select_n3A : i32
      %ne3A_91 = arith.constant 0 : i32
      %ne3A_92 = arith.cmpi ne, %rem3A, %ne3A_91 : i32
      %lt3A = arith.constant 0 : i32
      %lt3A_93 = arith.cmpi slt, %rem3A, %lt3A : i32
      %lt3A_94 = arith.constant 0 : i32
      %lt3A_95 = arith.cmpi slt, %select_n3A, %lt3A_94 : i32
      %ne3A_96 = arith.xori %lt3A_93, %lt3A_95 : i1
      %and3A_97 = arith.andi %ne3A_96, %ne3A_92 : i1
      %add3A_98 = arith.addi %rem3A, %select_n3A : i32
      %select_n3A_99 = arith.select %and3A_97, %add3A_98, %rem3A : i32
      %mul3A_100 = arith.constant 16 : i32
      %mul3A_101 = arith.muli %select_n3A_99, %mul3A_100 : i32
      %dma_start3A_102 = arith.constant 0 : i32
      %dma_start3A_103 = tpu.memref_slice %arg10[%mul3A_101, %dma_start3A_102] : memref<144x768xf32, #tpu.memory_space<vmem>> -> memref<16x768xf32, #tpu.memory_space<vmem>>
      %dma_start3A_104 = arith.constant 0 : i32
      %dma_start3A_105 = arith.constant 0 : i32
      %dma_start3A_106 = tpu.memref_slice %arg5[%dma_start3A_104, %dma_start3A_105] : memref<16384x768xf32, #tpu.memory_space<hbm>> -> memref<16384x768xf32, #tpu.memory_space<hbm>>
      tpu.enqueue_indirect_dma source(%dma_start3A_103 : memref<16x768xf32, #tpu.memory_space<vmem>>) target(%dma_start3A_106 : memref<16384x768xf32, #tpu.memory_space<hbm>>) offsets(%get3A_88 : vector<16xi32>) semaphore(%arg13 : memref<!tpu.dma_semaphore, #tpu.memory_space<semaphore_mem>>)
      %while3A_107 = arith.constant 0 : i32
      scf.yield %while3A_107 : i32
    }
    %min3A = arith.constant 9 : i32
    %min3A_46 = arith.minsi %shift_right_arithmetic3A_26, %min3A : i32
    %while3A_47 = arith.constant 0 : i32
    %while3A_48 = arith.constant 0 : i32
    %while3A_49 = arith.subi %min3A_46, %while3A_47 : i32
    %while3A_50 = arith.addi %while3A_47, %while3A_49 : i32
    %while3A_51 = arith.constant 1 : i32
    %while3A_52 = arith.divsi %while3A_49, %while3A_51 : i32
    %while3A_53 = arith.muli %while3A_52, %while3A_51 : i32
    %while3A_54 = arith.addi %while3A_47, %while3A_53 : i32
    %while3A_55 = arith.constant 1 : i32
    %while3A_56 = scf.for %while3A_71 = %while3A_47 to %while3A_54 step %while3A_55 iter_args(%while3A_72 = %while3A_48) -> (i32)  : i32 {
      %dma_wait3A_73 = arith.constant 0 : i32
      %dma_wait3A_74 = arith.constant 0 : i32
      %dma_wait3A_75 = tpu.memref_slice %arg10[%dma_wait3A_73, %dma_wait3A_74] : memref<144x768xf32, #tpu.memory_space<vmem>> -> memref<16x768xf32, #tpu.memory_space<vmem>>
      %dma_wait3A_76 = arith.constant 0 : i32
      %dma_wait3A_77 = arith.constant 0 : i32
      %dma_wait3A_78 = tpu.memref_slice %arg5[%dma_wait3A_76, %dma_wait3A_77] : memref<16384x768xf32, #tpu.memory_space<hbm>> -> memref<16x768xf32, #tpu.memory_space<hbm>>
      %dma_wait3A_79 = arith.constant 0 : i32
      %dma_wait3A_80 = arith.constant 0 : i32
      %dma_wait3A_81 = tpu.memref_slice %arg5[%dma_wait3A_79, %dma_wait3A_80] : memref<16384x768xf32, #tpu.memory_space<hbm>> -> memref<16x768xf32, #tpu.memory_space<hbm>>
      %dma_wait3A_82 = arith.constant 0 : i32
      %dma_wait3A_83 = arith.constant 0 : i32
      %dma_wait3A_84 = tpu.memref_slice %arg10[%dma_wait3A_82, %dma_wait3A_83] : memref<144x768xf32, #tpu.memory_space<vmem>> -> memref<16x768xf32, #tpu.memory_space<vmem>>
      tpu.wait_dma2 semaphore(%arg13 : memref<!tpu.dma_semaphore, #tpu.memory_space<semaphore_mem>>) src(%dma_wait3A_84 : memref<16x768xf32, #tpu.memory_space<vmem>>) dst(%dma_wait3A_81 : memref<16x768xf32, #tpu.memory_space<hbm>>)
      %while3A_85 = arith.constant 0 : i32
      scf.yield %while3A_85 : i32
    }
    %while3A_57 = arith.constant 1 : i32
    %while3A_58 = scf.for %while3A_71 = %while3A_54 to %while3A_50 step %while3A_57 iter_args(%while3A_72 = %while3A_56) -> (i32)  : i32 {
      %dma_wait3A_73 = arith.constant 0 : i32
      %dma_wait3A_74 = arith.constant 0 : i32
      %dma_wait3A_75 = tpu.memref_slice %arg10[%dma_wait3A_73, %dma_wait3A_74] : memref<144x768xf32, #tpu.memory_space<vmem>> -> memref<16x768xf32, #tpu.memory_space<vmem>>
      %dma_wait3A_76 = arith.constant 0 : i32
      %dma_wait3A_77 = arith.constant 0 : i32
      %dma_wait3A_78 = tpu.memref_slice %arg5[%dma_wait3A_76, %dma_wait3A_77] : memref<16384x768xf32, #tpu.memory_space<hbm>> -> memref<16x768xf32, #tpu.memory_space<hbm>>
      %dma_wait3A_79 = arith.constant 0 : i32
      %dma_wait3A_80 = arith.constant 0 : i32
      %dma_wait3A_81 = tpu.memref_slice %arg5[%dma_wait3A_79, %dma_wait3A_80] : memref<16384x768xf32, #tpu.memory_space<hbm>> -> memref<16x768xf32, #tpu.memory_space<hbm>>
      %dma_wait3A_82 = arith.constant 0 : i32
      %dma_wait3A_83 = arith.constant 0 : i32
      %dma_wait3A_84 = tpu.memref_slice %arg10[%dma_wait3A_82, %dma_wait3A_83] : memref<144x768xf32, #tpu.memory_space<vmem>> -> memref<16x768xf32, #tpu.memory_space<vmem>>
      tpu.wait_dma2 semaphore(%arg13 : memref<!tpu.dma_semaphore, #tpu.memory_space<semaphore_mem>>) src(%dma_wait3A_84 : memref<16x768xf32, #tpu.memory_space<vmem>>) dst(%dma_wait3A_81 : memref<16x768xf32, #tpu.memory_space<hbm>>)
      %while3A_85 = arith.constant 0 : i32
      scf.yield %while3A_85 : i32
    }
    %while3A_59 = arith.constant 0 : i32
    %while3A_60 = arith.constant 0 : i32
    %while3A_61 = arith.subi %shift_right_arithmetic3A_32, %while3A_59 : i32
    %while3A_62 = arith.addi %while3A_59, %while3A_61 : i32
    %while3A_63 = arith.constant 1 : i32
    %while3A_64 = arith.divsi %while3A_61, %while3A_63 : i32
    %while3A_65 = arith.muli %while3A_64, %while3A_63 : i32
    %while3A_66 = arith.addi %while3A_59, %while3A_65 : i32
    %while3A_67 = arith.constant 1 : i32
    %while3A_68 = scf.for %while3A_71 = %while3A_59 to %while3A_66 step %while3A_67 iter_args(%while3A_72 = %while3A_60) -> (i32)  : i32 {
      %dma_wait3A_73 = arith.constant 0 : i32
      %dma_wait3A_74 = arith.constant 0 : i32
      %dma_wait3A_75 = tpu.memref_slice %arg5[%dma_wait3A_73, %dma_wait3A_74] : memref<16384x768xf32, #tpu.memory_space<hbm>> -> memref<16x768xf32, #tpu.memory_space<hbm>>
      %dma_wait3A_76 = arith.constant 0 : i32
      %dma_wait3A_77 = arith.constant 0 : i32
      %dma_wait3A_78 = tpu.memref_slice %arg5[%dma_wait3A_76, %dma_wait3A_77] : memref<16384x768xf32, #tpu.memory_space<hbm>> -> memref<16x768xf32, #tpu.memory_space<hbm>>
      tpu.wait_dma2 semaphore(%arg11 : memref<!tpu.dma_semaphore, #tpu.memory_space<semaphore_mem>>) src(%arg9 : memref<16x768xf32, #tpu.memory_space<vmem>>) dst(%dma_wait3A_78 : memref<16x768xf32, #tpu.memory_space<hbm>>)
      %while3A_79 = arith.constant 0 : i32
      scf.yield %while3A_79 : i32
    }
    %while3A_69 = arith.constant 1 : i32
    %while3A_70 = scf.for %while3A_71 = %while3A_66 to %while3A_62 step %while3A_69 iter_args(%while3A_72 = %while3A_68) -> (i32)  : i32 {
      %dma_wait3A_73 = arith.constant 0 : i32
      %dma_wait3A_74 = arith.constant 0 : i32
      %dma_wait3A_75 = tpu.memref_slice %arg5[%dma_wait3A_73, %dma_wait3A_74] : memref<16384x768xf32, #tpu.memory_space<hbm>> -> memref<16x768xf32, #tpu.memory_space<hbm>>
      %dma_wait3A_76 = arith.constant 0 : i32
      %dma_wait3A_77 = arith.constant 0 : i32
      %dma_wait3A_78 = tpu.memref_slice %arg5[%dma_wait3A_76, %dma_wait3A_77] : memref<16384x768xf32, #tpu.memory_space<hbm>> -> memref<16x768xf32, #tpu.memory_space<hbm>>
      tpu.wait_dma2 semaphore(%arg11 : memref<!tpu.dma_semaphore, #tpu.memory_space<semaphore_mem>>) src(%arg9 : memref<16x768xf32, #tpu.memory_space<vmem>>) dst(%dma_wait3A_78 : memref<16x768xf32, #tpu.memory_space<hbm>>)
      %while3A_79 = arith.constant 0 : i32
      scf.yield %while3A_79 : i32
    }
    return
  }
}

</mosaic_0001>

<sc_bundles>
// kernel: kernel.3.cloned.1.call-start
scs
__scs_entry_jumppad:
0x0: {  	(pc) =	sbr.rel $0x88, $3  }
0x1: {  	(tag) =	ssettag $0x0;
	lr =	simm.s32 $0x1  }
0x2: {  	[smem:$0x3F9E] =	sst lr;
	_ =	strace $0xD0000000  }
0x3: {  	_ = 	snop  }
0x4: {  	_ = 	snop  }
0x5: {  	_ = 	snop  }
0x6: {  	_ = 	snop  }
0x7: {  	_ = 	snop  }
__scs_overlays_trampoline_lowered:
0x8: {  	[smem:$0x3FAD] =	sst s0  }
0x9: {  	[smem:$0x3FAE] =	sst s1  }
0xa: {  	[smem:$0x3FAF] =	sst s2  }
0xb: {  	[smem:$0x3FB0] =	sst s3  }
0xc: {  	[smem:$0x3FB1] =	sst s4  }
0xd: {  	[smem:$0x3FB2] =	sst s5  }
0xe: {  	[smem:$0x3FB3] =	sst s6  }
0xf: {  	[smem:$0x3FB4] =	sst s7  }
0x10: {  	[smem:$0x3FB5] =	sst s8  }
0x11: {  	[smem:$0x3FB6] =	sst s9;
	s0 =	simm.s32 @!p0 $0x0  }
0x12: {  	s1 =	sld [smem:$0x3F9C];
	s0 =	simm.s32 @p0 $0x1  }
0x13: {  	[smem:$0x3FB7] =	sst s0;
	s0 =	simm.s32 @!p1 $0x0  }
0x14: {  	s2 =	sld [smem:$0x3F9B];
	s0 =	simm.s32 @p1 $0x1  }
0x15: {  	[smem:$0x3FB8] =	sst s0;
	s0 =	simm.s32 @!p2 $0x0  }
0x16: {  	s3 =	sld [smem:$0x3FDB];
	s0 =	simm.s32 @p2 $0x1  }
0x17: {  	s4 =	simm.s32 $0x1BF5;
	[smem:$0x3FBA] =	sst s0  }
0x18: {  	s0 =	sld [smem:$0x3F9D];
	_ =	swait.ge [sflag:s4], $0x0  }
0x19: {  	s7 =	sld [smem:$0x3F9E]  }
0x1a: {  	s8 =	sadd.s32 $0xFFFFE003, lr  }
0x1b: {  	s9 =	sadd.s32 $0xFFFFFEF7, lr;
	s5 =	simm.s32 $0xFFFFFFFF;
	p2 =	slt.u32 s8, $0xFFFFF086  }
0x1c: {  	p1 =	slt.u32 s9, $0xF7A;
	s5 =	simm.s32 @!p2 $0x0  }
0x1d: {  	s5 =	simm.s32 @p1 $0x1;
	p0 =	seq.s32 s7, s2  }
0x1e: {  	s7 =	smul.u32 @!p0 $0xF7A, s2;
	p2 =	seq.s32 @!p0 s5, $0x0  }
0x1f: {  	s9 =	smul.u32 $0xF7A, s1;
	s8 =	simm.s32 @!p0 $0x1BF5;
	p2 =	por !p2, p0  }
0x20: {  	[sflag:s8] =	ssyncset.s32 @!p0 $0xFFFFF086;
	s6 =	sadd.s32 @!p0 s3, s7;
	s7 =	simm.s32 @!p0 $0x108  }
0x21: {  	s3 =	sadd.s32 s3, s9;
	s6 =	sadd.s32 @!p0 $0x88, s6;
	s7 =	simm.s32 @p2 $0x1082  }
0x22: {  	[simem:s7], [sflag:s8] =	dma.local @!p0 [hbm:s6], $0xF7A  }
0x23: {  	s9 =	sor.u32 $0xD0000000, s2;
	s6 =	simm.s32 $0x108;
	_ =	swait.ge @!p0 [sflag:s8], $0x0  }
0x24: {  	s3 =	sadd.s32 $0x88, s3;
	s6 =	simm.s32 @!p1 $0x1082;
	[sflag:s4] =	ssyncset.s32 $0xFFFFF086  }
0x25: {  	[simem:s6], [sflag:s4] =	dma.local [hbm:s3], $0xF7A  }
0x26: {  	[smem:$0x3F9E] =	sst s1;
	(tag) =	ssettag s2;
	_ =	strace s9  }
0x27: {  	s1 =	sld [smem:$0x3FAE]  }
0x28: {  	s2 =	sld [smem:$0x3FAF]  }
0x29: {  	s4 =	sld [smem:$0x3FB1]  }
0x2a: {  	p0 =	seq.s32 s5, $0x0;
	s5 =	sld [smem:$0x3FB2]  }
0x2b: {  	s6 =	sld [smem:$0x3FB3]  }
0x2c: {  	s7 =	sld [smem:$0x3FB4]  }
0x2d: {  	s3 =	simm.s32 $0x108;
	s8 =	sld [smem:$0x3FB5]  }
0x2e: {  	s3 =	simm.s32 @!p0 $0x1082;
	s9 =	sld [smem:$0x3FB6]  }
0x2f: {  	lr =	sadd.s32 s0, s3;
	s0 =	sld [smem:$0x3FAD]  }
0x30: {  	s3 =	sld [smem:$0x3FB0]  }
0x31: {  	[smem:$0x3FB9] =	sst s10  }
0x32: {  	s10 =	sld [smem:$0x3FB7];
	_ =	sdelay $0x3  }
0x33: {  	p0 =	seq.s32 s10, $0x1;
	s10 =	sld [smem:$0x3FB9];
	_ =	sdelay $0x3  }
0x34: {  	[smem:$0x3FB9] =	sst s10  }
0x35: {  	s10 =	sld [smem:$0x3FB8];
	_ =	sdelay $0x3  }
0x36: {  	p1 =	seq.s32 s10, $0x1;
	s10 =	sld [smem:$0x3FB9];
	_ =	sdelay $0x3  }
0x37: {  	[smem:$0x3FB9] =	sst s10  }
0x38: {  	s10 =	sld [smem:$0x3FBA]  }
0x39: {  	_ = 	snop;
	(pc) =	sbr.ind lr, $3  }
0x3a: {  	_ = 	snop  }
0x3b: {  	_ = 	snop  }
0x3c: {  	p2 =	seq.s32 s10, $0x1;
	s10 =	sld [smem:$0x3FB9]  }
0x3d: {  	_ =	shalt  }
0x3e: {  	_ =	shalt  }
0x3f: {  	_ =	shalt  }
0x40: {  	_ =	shalt  }
0x41: {  	_ =	shalt  }
0x42: {  	_ =	shalt  }
0x43: {  	_ =	shalt  }
0x44: {  	_ =	shalt  }
0x45: {  	_ =	shalt  }
0x46: {  	_ =	shalt  }
0x47: {  	_ =	shalt  }
0x48: {  	_ =	shalt  }
0x49: {  	_ =	shalt  }
0x4a: {  	_ =	shalt  }
0x4b: {  	_ =	shalt  }
0x4c: {  	_ =	shalt  }
0x4d: {  	_ =	shalt  }
0x4e: {  	_ =	shalt  }
0x4f: {  	_ =	shalt  }
0x50: {  	_ =	shalt  }
0x51: {  	_ =	shalt  }
0x52: {  	_ =	shalt  }
0x53: {  	_ =	shalt  }
0x54: {  	_ =	shalt  }
0x55: {  	_ =	shalt  }
0x56: {  	_ =	shalt  }
0x57: {  	_ =	shalt  }
0x58: {  	_ =	shalt  }
0x59: {  	_ =	shalt  }
0x5a: {  	_ =	shalt  }
0x5b: {  	_ =	shalt  }
0x5c: {  	_ =	shalt  }
0x5d: {  	_ =	shalt  }
0x5e: {  	_ =	shalt  }
0x5f: {  	_ =	shalt  }
0x60: {  	_ =	shalt  }
0x61: {  	_ =	shalt  }
0x62: {  	_ =	shalt  }
0x63: {  	_ =	shalt  }
0x64: {  	_ =	shalt  }
0x65: {  	_ =	shalt  }
0x66: {  	_ =	shalt  }
0x67: {  	_ =	shalt  }
0x68: {  	_ =	shalt  }
0x69: {  	_ =	shalt  }
0x6a: {  	_ =	shalt  }
0x6b: {  	_ =	shalt  }
0x6c: {  	_ =	shalt  }
0x6d: {  	_ =	shalt  }
0x6e: {  	_ =	shalt  }
0x6f: {  	_ =	shalt  }
0x70: {  	_ =	shalt  }
0x71: {  	_ =	shalt  }
0x72: {  	_ =	shalt  }
0x73: {  	_ =	shalt  }
0x74: {  	_ =	shalt  }
0x75: {  	_ =	shalt  }
0x76: {  	_ =	shalt  }
0x77: {  	_ =	shalt  }
0x78: {  	_ =	shalt  }
0x79: {  	_ =	shalt  }
0x7a: {  	_ =	shalt  }
0x7b: {  	_ =	shalt  }
0x7c: {  	_ =	shalt  }
0x7d: {  	_ =	shalt  }
0x7e: {  	_ =	shalt  }
0x7f: {  	_ =	shalt  }
0x80: {  	_ =	shalt  }
0x81: {  	_ =	shalt  }
0x82: {  	_ =	shalt  }
0x83: {  	_ =	shalt  }
0x84: {  	_ =	shalt  }
0x85: {  	_ =	shalt  }
0x86: {  	_ =	shalt  }
0x87: {  	_ =	shalt  }
.Lfunc_end0:
.L_simem_size_0:
called_computation_lowered:
.L_overlay_start_0:
0x88: {  	s2 =	sld [smem:$0x3FD9]  }
0x89: {  	s3 =	sld [smem:$0x3FFE];
	_ =	sdelay $0x1  }
0x8a: {  	s1 =	srdreg.scid  }
0x8b: {  	s0 =	sand.u32 $0x1, s1  }
0x8c: {  	s17 =	sshll.u32 s0, $0xA;
	s2 =	sadd.s32 s3, s2  }
0x8d: {  	s2 =	sadd.s32 s2, s17  }
0x8e: {  	[smem:$0x3FC5] =	sst s2  }
0x8f: {  	_ = 	snop  }
0x90: {  	s2 =	sld [smem:$0x3FC9]  }
0x91: {  	s18 =	sld [smem:$0x3FD0];
	(tm) =	ssettm $0x1  }
0x92: {  	s4 =	sld [smem:$0x3FFB];
	_ =	sdelay $0x3  }
0x93: {  	_ =	strace s4  }
0x94: {  	s4 =	sld [smem:$0x3FFC];
	_ =	sdelay $0x3  }
0x95: {  	_ =	strace s4  }
0x96: {  	s4 =	sld [smem:$0x3FFD];
	_ =	sdelay $0x3  }
0x97: {  	_ =	strace s4  }
0x98: {  	_ =	strace $0x8FFFFFFF  }
0x99: {  	s19 =	sld [smem:$0x3FDB];
	_ =	sdelay $0x1  }
0x9a: {  	s5 =	simm.s32 $_scs_section_size  }
0x9b: {  	s6 =	simm.s32 $_size__tile_overlayer_lowered;
	s7 =	simm.s32 $_tile_overlayer_lowered  }
0x9c: {  	s22 =	simm.s32 $0x1BFF;
	s21 =	sshll.u32 s7, $0x1;
	s4 =	sadd.s32 s5, s19  }
0x9d: {  	s8 =	simm.s32 $0x0;
	s20 =	sshll.u32 s6, $0x1;
	s6 =	sadd.s32 s21, s4  }
0x9e: {  	[timem:s8], [sflag:s22] =	dma.local [hbm:s6], s20  }
0x9f: {  	_ =	swait.ge [sflag:s22], s20  }
0xa0: {  	s5 =	ssub.s32 $0x0, s20;
	[sflag:s22] =	ssyncset.done $0x0  }
0xa1: {  	[sflag:s22] =	ssyncadd.s32 s5;
	_ =	sdelay $0x1  }
0xa2: {  	s23 =	simm.s32 $0x1B8B  }
0xa3: {  	_ =	swait.ge [sflag:s23], $0x1  }
0xa4: {  	[sflag:s23] =	ssyncset.done $0x0  }
0xa5: {  	s25 =	simm.s32 $0x1B8E;
	s24 =	sld [smem:$0x3FFE];
	[sflag:s23] =	ssyncadd.s32 $0xFFFFFFFF  }
0xa6: {  	s26 =	simm.s32 $execute0_lowered;
	[smem:$0x3FD2] =	sst s25  }
0xa7: {  	s6 =	sshll.u32 s26, $0x1;
	_ =	strace $0x80000046;
	[dreg:$0x1] =	wrdreg $0xFFFFFFFF  }
0xa8: {  	s28 =	simm.s32 $_size_execute0_lowered;
	s4 =	sadd.s32 s4, s6;
	[dreg:$0x0] =	wrdreg $0x0  }
0xa9: {  	s6 =	sshll.u32 s28, $0x1;
	[dreg:$0x2] =	wrdreg s4  }
0xaa: {  	[dreg:$0x3] =	wrdreg s6  }
0xab: {  	[dreg:$0x4] =	wrdreg $0xC0  }
0xac: {  	_ =	task [dreg:s8], $0x5FFFF  }
0xad: {  	[dreg:$0x1] =	wrdreg $0xFFFFFFFF  }
0xae: {  	[dreg:$0x0] =	wrdreg $0x60  }
0xaf: {  	[dreg:$0x2] =	wrdreg s2  }
0xb0: {  	[dreg:$0x3] =	wrdreg s24  }
0xb1: {  	[dreg:$0x4] =	wrdreg s18  }
0xb2: {  	[dreg:$0x5] =	wrdreg $0x9  }
0xb3: {  	_ =	task.clear_ibuf [dreg:s8], $0x6FFFF;
	_ =	strace $0x90000046  }
0xb4: {  	s29 =	simm.s32 $0x9;
	_ =	strace $0x80000048  }
0xb5: {  	_ =	swait.ge [sflag:s29], $0x1  }
0xb6: {  	[sflag:s29] =	ssyncadd.s32 $0xFFFFFFFF  }
0xb7: {  	_ =	strace $0x90000048  }
0xb8: {  	_ =	sfence  }
0xb9: {  	s30 =	sld [smem:$0x0];
	_ =	sdelay $0x2  }
0xba: {  	s31 =	sshll.u32 s1, $0xD;
	s1 =	sshrl.u32 s1, $0x2  }
0xbb: {  	s3 =	sand.u32 $0x4000, s31;
	s1 =	sadd.s32 s1, s30  }
0xbc: {  	s0 =	sor.u32 s3, s0;
	s1 =	sshll.u32 s1, $0x11  }
0xbd: {  	s0 =	sor.u32 s1, s0  }
0xbe: {  	s0 =	sadd.s32 $0x8F2B, s0  }
0xbf: {  	[sflag:s0] =	ssyncadd.remote.s32 $0x1  }
0xc0: {  	_ =	sfence.sel $0xFFFF  }
0xc1: {  	[dreg:$0x0] =	wrdreg $0xFFFFFFFF;
	(pc) =	sbr.abs _section_cstart, $3  }
0xc2: {  	[dreg:$0x1] =	wrdreg $0xFFFFFFFF  }
0xc3: {  	_ =	task.clear_ibuf [dreg:s8], $0x2FFFF;
	_ =	strace $0x9FFFFFFF  }
0xc4: {  	(tm) =	ssettm $0x7FFFFFFF  }
0xc5: {  	_ =	shalt  }
tec
execute0_lowered:
.L_overlay_start_1:
0x0: {  	(tag) =	ssettag $0x1  }
0x1: {  	s3 =	rddreg [dreg:$0x0]  }
0x2: {  	s0 =	rddreg [dreg:$0x1]  }
0x3: {  	s6 =	rddreg [dreg:$0x2]  }
0x4: {  	s1 =	srdreg.scid;
	s2 =	stileid.u32  }
0x5: {  	s4 =	simm.s32 $0x0;
	s11 =	simm.s32 $0x2;
	s15 =	simm.s32 $0x1  }
0x6: {  	s16 =	simm.s32 $0x3;
	s1 =	sand.u32 $0x1, s1;
	s2 =	sshll.u32 s2, $0xA  }
0x7: {  	[smem:$0x7FF] =	sst s4;
	s30 =	sadd.s32 $0x100, s3;
	s31 =	sadd.s32 $0x200, s3  }
0x8: {  	s5 =	sshll.u32 s1, $0x9;
	_ =	strace $0x80000047;
	[dreg:$0x7] =	wrdreg s30  }
0x9: {  	s1 =	ssub.s32 $0x2, s1;
	[dreg:$0x8] =	wrdreg s31;
	s2 =	sor.u32 s5, s2  }
.Ltmp0:
0xa: {  	[dreg:$0x4] =	wrdreg s2;
	s2 =	sshrl.u32 s2, $0x3;
	(pc) =	sbr.rel .LBB2_1-.Ltmp0, $4  }
0xb: {  	s28 =	sshrl.u32 s1, $0x1;
	s2 =	sadd.s32 s2, s0;
	s0 =	sadd.s32 $0xC00, s0  }
0xc: {  	v0 =	vlaneseq.u32;
	[dreg:$0x5] =	wrdreg s0;
	s0 =	ssub.s32 s1, s28;
	s29 =	sadd.s32 $0x400, s2  }
0xd: {  	v1 =	vimm.s32 $0x0;
	vm0 =	vmmov $0xffff;
	s8 =	sadd.s32 $0x100, s6;
	v3 =	vshrl.u32 v0, $0x3;
	[dreg:$0x6] =	wrdreg s29;
	s0 =	smax.u32 s0, $0x1  }
0xe: {  	s9 =	sadd.s32 $0x200, s6;
	v2 =	vand.u32 $0x7, v0;
	v4 =	vor.u32 $0x8, v0;
	v3 =	vmul.u32 $0x8, v3;
	s1 =	simm.s32 $0x0;
	[dreg:$0x9] =	wrdreg s0  }
.LBB2_19:
0xf: {  	[sflag:s15] =	ssyncadd.s32 $0xFFFFD000  }
.LBB2_20:
0x10: {  	s1 =	sadd.s32 $0x1, s1;
	s0 =	rddreg [dreg:$0x9]  }
0x11: {  	p0 =	sne.s32 s1, s0  }
.Ltmp1:
0x12: {  	_ = 	snop;
	(pc) =	sbr.rel @!p0 .LBB2_21-.Ltmp1, $1  }
0x13: {  	_ =	sdelay $0x3  }
.LBB2_1:
0x14: {  	[dreg:$0xa] =	wrdreg s1  }
0x15: {  	s0 =	rddreg [dreg:$0x6]  }
0x16: {  	[tilespmem:s4], [sflag:$0x2] =	stream.linear.gather [hbm4b:s0+s4], $0x200, $0x38;
	[tilespmem:$0x1E700] =	vst v63  }
0x17: {  	s29 =	rddreg [dreg:$0x5];
	s30 =	simm.s32 $0x700  }
0x18: {  	[tilespmem:s30], [sflag:$0x1] =	stream.linear.gather [hbm4b:s29+s4], $0x3000, $0x38;
	[tilespmem:$0x1E700] =	vst v63  }
0x19: {  	_ =	swait.ge [sflag:s11], $0x200  }
.Ltmp2:
0x1a: {  	[sflag:s11] =	ssyncset.done $0x0;
	(pc) =	sbr.rel .LBB2_2-.Ltmp2, $4  }
0x1b: {  	[sflag:s11] =	ssyncadd.s32 $0xFFFFFE00  }
0x1c: {  	s1 =	simm.s32 $0x0;
	_ =	swait.ge [sflag:s15], $0x3000  }
0x1d: {  	s14 =	simm.s32 $0x0;
	s31 =	simm.s32 $0x0;
	[sflag:s15] =	ssyncset.done $0x0  }
0x1e: {  	s2 =	simm.s32 $0x0;
	[dreg:$0xb] =	wrdreg s31;
	[sflag:s15] =	ssyncadd.s32 $0xFFFFD000  }
.LBB2_4:
0x1f: {  	s14 =	rddreg [dreg:$0xd]  }
0x20: {  	s14 =	sadd.s32 $0x10, s14  }
0x21: {  	p0 =	sne.s32 s14, $0x200  }
.Ltmp3:
0x22: {  	_ = 	snop;
	(pc) =	sbr.rel @!p0 .LBB2_5-.Ltmp3, $3  }
0x23: {  	_ =	sdelay $0x1  }
0x24: {  	s1 =	rddreg [dreg:$0xc]  }
0x25: {  	s2 =	smov.u32 s22;
	s1 =	sadd.s32 $0x10, s1  }
.LBB2_2:
0x26: {  	v5 =	vld [tilespmem:s1+$0x0];
	_ =	sdelay $0x4  }
0x27: {  	vm1 =	vne.s32 v5, $0x0  }
0x28: {  	v5 =	vsel vm1, $0x1, v1  }
0x29: {  	(v2sf) =	vpush v5, $0x0  }
0x2a: {  	(v2sf) =	vpush v5, $0x1;
	_ =	sdelay $0x3  }
0x2b: {  	(v2sf) =	vpush v5, $0x2;
	_ =	sdelay $0x2  }
0x2c: {  	(v2sf) =	vpush v5, $0x3  }
0x2d: {  	(v2sf) =	vpush v5, $0x4;
	_ =	sdelay $0x2  }
0x2e: {  	(v2sf) =	vpush v5, $0x5;
	_ =	sdelay $0x2  }
0x2f: {  	(v2sf) =	vpush v5, $0x6;
	s22 =	spop (v2sf)  }
0x30: {  	s0 =	spop (v2sf);
	s23 =	smul.u32 $0x64, s22  }
0x31: {  	[dreg:$0xe] =	wrdreg s2;
	s18 =	smul.u32 s0, s22  }
0x32: {  	[dreg:$0xc] =	wrdreg s1;
	s6 =	smul.u32 $0x64, s0  }
0x33: {  	(v2sf) =	vpush v5, $0x7;
	s5 =	sxor.u32 $0x1, s22;
	s7 =	sxor.u32 $0x1, s0;
	s26 =	smul.u32 $0xFFFFFF9C, s0  }
0x34: {  	s13 =	spop (v2sf);
	s0 =	sadd.s32 s0, s22;
	s24 =	smul.u32 s7, s5  }
0x35: {  	[dreg:$0xd] =	wrdreg s14;
	(v2sf) =	vpush v5, $0x8;
	s30 =	smul.u32 s13, s0  }
0x36: {  	s5 =	sadd.s32 s7, s5;
	s31 =	smul.u32 $0x64, s13;
	s19 =	sxor.u32 $0x1, s13  }
0x37: {  	s17 =	spop (v2sf);
	s0 =	sadd.s32 s13, s0;
	s2 =	smul.u32 s19, s5  }
0x38: {  	(v2sf) =	vpush v5, $0x9;
	s25 =	spop (v2sf);
	s12 =	sor.u32 s18, s6;
	s6 =	smul.u32 $0xFFFFFF9C, s13  }
0x39: {  	s20 =	sadd.s32 $0x64, s0;
	s5 =	sadd.s32 s19, s5;
	s19 =	smul.u32 $0xFFFFFF9C, s17  }
0x3a: {  	s21 =	sxor.u32 $0x1, s17;
	s0 =	sadd.s32 s17, s0;
	s1 =	smul.u32 s17, s20  }
0x3b: {  	s28 =	spop (v2sf);
	s11 =	smul.u32 s21, s5;
	s29 =	sadd.s32 $0x64, s0  }
0x3c: {  	(v2sf) =	vpush v5, $0xA;
	s5 =	sadd.s32 s21, s5;
	s3 =	sxor.u32 $0x1, s25;
	s0 =	sadd.s32 s25, s0  }
0x3d: {  	s26 =	sor.u32 s26, s24;
	s24 =	smul.u32 $0xFFFFFF9C, s25;
	s30 =	sor.u32 s30, s31  }
0x3e: {  	s12 =	sadd.s32 $0xFFFFFF9C, s12;
	s10 =	spop (v2sf);
	s7 =	smul.u32 s25, s29  }
0x3f: {  	s20 =	smul.u32 s3, s5;
	s13 =	sadd.s32 $0x64, s0;
	s21 =	sadd.s32 s3, s5  }
0x40: {  	s3 =	sxor.u32 $0x1, s28;
	s17 =	sor.u32 s6, s2;
	s31 =	smul.u32 $0xFFFFFF9C, s28  }
0x41: {  	s30 =	sadd.s32 $0xFFFFFF9C, s30;
	[dreg:$0x11] =	wrdreg s1;
	s5 =	smul.u32 s28, s13  }
0x42: {  	s18 =	spop (v2sf);
	s2 =	smul.u32 s3, s21;
	s21 =	sadd.s32 s3, s21  }
0x43: {  	(v2sf) =	vpush v5, $0xB;
	s3 =	sadd.s32 s19, s11;
	s19 =	sadd.s32 s28, s0;
	s0 =	smul.u32 $0xFFFFFF9C, s10  }
0x44: {  	s6 =	sxor.u32 $0x1, s10;
	s1 =	spop (v2sf);
	[dreg:$0x12] =	wrdreg s3  }
0x45: {  	s13 =	smul.u32 s6, s21;
	s24 =	sadd.s32 s24, s20;
	s28 =	sadd.s32 $0x64, s19  }
0x46: {  	(v2sf) =	vpush v5, $0xC;
	s21 =	sadd.s32 s6, s21;
	s3 =	sxor.u32 $0x1, s18;
	s6 =	smul.u32 $0xFFFFFF9C, s18  }
0x47: {  	s19 =	sadd.s32 s10, s19;
	s7 =	sadd.s32 $0xFFFFFF9C, s7;
	s29 =	spop (v2sf)  }
0x48: {  	[dreg:$0x10] =	wrdreg s24;
	s20 =	smul.u32 s10, s28;
	s31 =	sadd.s32 s31, s2  }
0x49: {  	s25 =	sxor.u32 $0x1, s1;
	s5 =	sadd.s32 $0xFFFFFF9C, s5;
	s11 =	sadd.s32 s0, s13  }
0x4a: {  	(v2sf) =	vpush v5, $0xD;
	s13 =	smul.u32 s3, s21;
	s21 =	sadd.s32 s3, s21;
	s3 =	sadd.s32 $0x64, s19  }
0x4b: {  	v52 =	vmov s7;
	s19 =	sadd.s32 s18, s19;
	s7 =	smul.u32 $0xFFFFFF9C, s29;
	s2 =	spop (v2sf);
	(v2sf) =	vpush v5, $0xE  }
0x4c: {  	v8 =	vmov s12;
	s0 =	smul.u32 s25, s21;
	s12 =	sadd.s32 s1, s19;
	s10 =	sadd.s32 s6, s13  }
0x4d: {  	s21 =	sadd.s32 s25, s21;
	s13 =	smul.u32 $0xFFFFFF9C, s1;
	[dreg:$0xf] =	wrdreg s10  }
0x4e: {  	s6 =	smul.u32 s18, s3;
	s10 =	sadd.s32 $0xFFFFFF9C, s23;
	s23 =	rddreg [dreg:$0x4]  }
0x4f: {  	s18 =	sadd.s32 s13, s0;
	s13 =	smul.u32 $0xFFFFFF9C, s22;
	s22 =	sadd.s32 s14, s23  }
0x50: {  	v9 =	vmov s26;
	v10 =	vmov s30;
	s3 =	rddreg [dreg:$0x11];
	v6 =	vmov s10;
	s10 =	sadd.s32 $0x64, s19;
	s0 =	sadd.s32 $0x1, s22  }
0x51: {  	s14 =	sadd.s32 $0x2, s22;
	vm1 =	veq.s32 v6, v0;
	v6 =	vmov s22;
	s19 =	sadd.s32 $0x3, s22;
	s25 =	sadd.s32 $0x4, s22;
	v7 =	vmov s13  }
0x52: {  	s26 =	sadd.s32 $0x5, s22;
	s30 =	sadd.s32 $0x6, s22;
	s28 =	spop (v2sf);
	vm2 =	veq.s32 v7, v0;
	v7 =	vnsel vm1, $0x0, v6;
	vm1 =	veq.s32 v8, v0  }
0x53: {  	s13 =	smul.u32 s1, s10;
	s1 =	sadd.s32 $0xFFFFFF9C, s3;
	s3 =	sadd.s32 $0xFFFFFF9C, s20;
	v6 =	vnsel vm2, $0x0, v6;
	v7 =	vsel vm1, s0, v7;
	vm1 =	veq.s32 v9, v0  }
0x54: {  	v49 =	vmov s17;
	s10 =	sadd.s32 $0xFFFFFF9C, s6;
	s6 =	sadd.s32 $0x64, s12;
	s20 =	sxor.u32 $0x1, s29;
	v6 =	vsel vm1, s0, v6;
	vm1 =	veq.s32 v10, v0  }
0x55: {  	s12 =	sadd.s32 s29, s12;
	s24 =	spop (v2sf);
	s17 =	smul.u32 s29, s6;
	v7 =	vsel vm1, s14, v7;
	vm1 =	veq.s32 v49, v0  }
0x56: {  	v50 =	vmov s1;
	s1 =	sadd.s32 $0x7, s22;
	s6 =	sadd.s32 $0xFFFFFF9C, s13;
	v6 =	vsel vm1, s14, v6;
	s14 =	rddreg [dreg:$0x12]  }
0x57: {  	s13 =	smul.u32 s20, s21;
	vm1 =	veq.s32 v50, v0;
	v51 =	vmov s14;
	s14 =	sadd.s32 s20, s21;
	s20 =	sxor.u32 $0x1, s2  }
0x58: {  	s29 =	rddreg [dreg:$0x10];
	v7 =	vsel vm1, s19, v7;
	s21 =	sadd.s32 $0x64, s12;
	vm1 =	veq.s32 v51, v0;
	s0 =	smul.u32 s20, s14  }
0x59: {  	v54 =	vmov s31;
	v56 =	vmov s11;
	s23 =	spop (v2sf);
	s12 =	sadd.s32 s2, s12;
	v6 =	vsel vm1, s19, v6;
	s19 =	smul.u32 s2, s21  }
0x5a: {  	v53 =	vmov s29;
	s31 =	sadd.s32 $0x64, s12;
	vm1 =	veq.s32 v52, v0;
	s2 =	smul.u32 $0xFFFFFF9C, s2;
	s29 =	spop (v2sf);
	(v2sf) =	vpush v5, $0xF  }
0x5b: {  	v55 =	vmov s3;
	s3 =	sadd.s32 s20, s14;
	s14 =	sxor.u32 $0x1, s28;
	s11 =	smul.u32 s28, s31;
	v7 =	vsel vm1, s25, v7;
	vm1 =	veq.s32 v53, v0  }
0x5c: {  	vm2 =	veq.s32 v55, v0;
	s17 =	sadd.s32 $0xFFFFFF9C, s17;
	s7 =	sadd.s32 s7, s13;
	s13 =	smul.u32 s14, s3;
	v5 =	vsel vm1, s25, v6;
	v6 =	vmov s5  }
0x5d: {  	v58 =	vmov s6;
	v59 =	vmov s17;
	s20 =	sadd.s32 $0xA, s22;
	s31 =	smul.u32 $0xFFFFFF9C, s28;
	s0 =	sadd.s32 s2, s0;
	vm1 =	veq.s32 v6, v0  }
0x5e: {  	s12 =	sadd.s32 s28, s12;
	s21 =	sadd.s32 $0x8, s22;
	v60 =	vmov s0;
	s25 =	rddreg [dreg:$0xf];
	v6 =	vsel vm1, s26, v7;
	vm1 =	veq.s32 v54, v0  }
0x5f: {  	s28 =	sadd.s32 s14, s3;
	s2 =	sadd.s32 s31, s13;
	s31 =	sxor.u32 $0x1, s24;
	v57 =	vmov s25;
	v7 =	vmov s10;
	v5 =	vsel vm1, s26, v5  }
0x60: {  	s6 =	sadd.s32 $0xFFFFFF9C, s11;
	s13 =	sadd.s32 $0xC, s22;
	s14 =	smul.u32 s31, s28;
	v6 =	vsel vm2, s30, v6;
	vm1 =	veq.s32 v56, v0;
	vm2 =	veq.s32 v57, v0  }
0x61: {  	s5 =	sadd.s32 $0x9, s22;
	s25 =	smul.u32 $0xFFFFFF9C, s24;
	s26 =	sadd.s32 $0x64, s12;
	v5 =	vsel vm1, s30, v5;
	vm1 =	veq.s32 v7, v0;
	v7 =	vmov s18  }
0x62: {  	s10 =	sadd.s32 $0xFFFFFF9C, s19;
	s12 =	sadd.s32 s24, s12;
	s30 =	smul.u32 s24, s26;
	v6 =	vsel vm1, s1, v6;
	v5 =	vsel vm2, s1, v5;
	vm1 =	veq.s32 v58, v0  }
0x63: {  	s19 =	sadd.s32 $0xB, s22;
	s26 =	sadd.s32 $0x64, s12;
	s18 =	smul.u32 $0xFFFFFF9C, s23;
	vm2 =	veq.s32 v59, v0;
	v6 =	vsel vm1, s21, v6;
	vm1 =	veq.s32 v7, v0  }
0x64: {  	s1 =	sadd.s32 s31, s28;
	s28 =	smul.u32 s23, s26;
	s31 =	sadd.s32 s25, s14;
	v7 =	vmov s7;
	v5 =	vsel vm1, s21, v5;
	v6 =	vsel vm2, s5, v6  }
0x65: {  	s14 =	sadd.s32 s23, s12;
	s3 =	sadd.s32 $0xFFFFFF9C, s30;
	s30 =	sxor.u32 $0x1, s23;
	vm1 =	veq.s32 v7, v0;
	v7 =	vmov s10;
	vm2 =	veq.s32 v60, v0  }
0x66: {  	s23 =	sxor.u32 $0x1, s29;
	s10 =	smul.u32 s30, s1;
	s21 =	sadd.s32 $0x64, s14;
	v61 =	vmov s3;
	v5 =	vsel vm1, s5, v5;
	vm1 =	veq.s32 v7, v0  }
0x67: {  	s26 =	sadd.s32 s29, s14;
	s1 =	sadd.s32 s30, s1;
	v7 =	vmov s6;
	s11 =	smul.u32 s29, s21;
	v6 =	vsel vm1, s20, v6;
	v5 =	vsel vm2, s20, v5  }
0x68: {  	s30 =	sadd.s32 $0x64, s26;
	s6 =	sadd.s32 $0xFFFFFF9C, s28;
	s25 =	smul.u32 s23, s1;
	vm1 =	veq.s32 v7, v0;
	v7 =	vmov s2;
	vm2 =	veq.s32 v61, v0  }
0x69: {  	s28 =	smul.u32 $0xFFFFFF9C, s29;
	s24 =	sadd.s32 s18, s10;
	v6 =	vsel vm1, s19, v6;
	vm1 =	veq.s32 v7, v0;
	v7 =	vmov s31;
	s29 =	spop (v2sf)  }
0x6a: {  	s20 =	sadd.s32 $0xD, s22;
	s31 =	sadd.s32 s23, s1;
	v62 =	vmov s24;
	v5 =	vsel vm1, s19, v5;
	v6 =	vsel vm2, s13, v6;
	s14 =	smul.u32 s29, s30  }
0x6b: {  	s18 =	sadd.s32 $0xFFFFFF9C, s11;
	vm1 =	veq.s32 v7, v0;
	v7 =	vmov s6;
	vm2 =	veq.s32 v62, v0;
	s17 =	sxor.u32 $0x1, s29;
	s21 =	smul.u32 $0xFFFFFF9C, s29  }
0x6c: {  	s11 =	rddreg [dreg:$0xb];
	s3 =	sadd.s32 s28, s25;
	v5 =	vsel vm1, s13, v5;
	vm1 =	veq.s32 v7, v0;
	v7 =	vmov s18;
	s19 =	smul.u32 s17, s31  }
0x6d: {  	s23 =	sadd.s32 $0xE, s22;
	v6 =	vsel vm1, s20, v6;
	v5 =	vsel vm2, s20, v5;
	vm1 =	veq.s32 v7, v0;
	s10 =	sadd.s32 s11, s29;
	s12 =	sadd.s32 $0xFFFFFF9C, s14  }
0x6e: {  	v7 =	vmov s3;
	v6 =	vsel vm1, s23, v6;
	s25 =	sadd.s32 s26, s10;
	v63 =	vmov s12;
	s24 =	sadd.s32 s21, s19  }
0x6f: {  	vm1 =	veq.s32 v7, v0;
	s29 =	sshra.s32 s11, $0x4;
	s26 =	sadd.s32 $0xF, s22;
	s28 =	sshra.s32 s25, $0x4;
	vm2 =	veq.s32 v63, v0;
	v7 =	vmov s24  }
0x70: {  	v5 =	vsel vm1, s23, v5;
	s30 =	ssub.s32 s28, s29;
	v6 =	vsel vm2, s26, v6;
	vm1 =	veq.s32 v7, v0  }
0x71: {  	s5 =	rddreg [dreg:$0xe];
	p0 =	sne.s32 s30, $0x1;
	v5 =	vsel vm1, s26, v5;
	[tilespmem:s11+$0x200] =	vst v6  }
0x72: {  	s2 =	sand.u32 @!p0 $0xFFFFFFF0, s11;
	[tilespmem:s5+$0x480] =	vst v5  }
0x73: {  	v5 =	vld @!p0 [tilespmem:s2+$0x200];
	_ =	sdelay $0x4  }
0x74: {  	v6 =	vshrl.u32 @!p0 v5, $0x3  }
0x75: {  	v6 =	vmul.u32 @!p0 $0x30, v6  }
0x76: {  	v7 =	vlaneseq.u32 @!p0;
	v5 =	vand.u32 @!p0 $0x7, v5  }
0x77: {  	v8 =	vshrl.u32 @!p0 v7, $0x3;
	v5 =	vor.u32 @!p0 v5, v6;
	v6 =	vand.u32 @!p0 $0x7, v7  }
0x78: {  	v8 =	vmul.u32 @!p0 $0x8, v8;
	v6 =	vperm.xlane @!p0 v5, v6;
	_ =	sdelay $0x1  }
0x79: {  	v6 =	vadd.s32 @!p0 v8, v6;
	_ =	sdelay $0x2  }
0x7a: {  	v7 =	vor.u32 @!p0 $0x8, v7  }
0x7b: {  	s10 =	rddreg [dreg:$0x2];
	s3 =	simm.s32 @!p0 $0x700;
	vm1 =	vmmov @!p0 $0xffff;
	s2 =	simm.s32 @!p0 $0x0;
	v5 =	vperm.xlane @!p0 v5, v7  }
0x7c: {  	[hbm4b:s10+s2] =	stream.indirect_vreg.scatter @!p0 [tilespmem:s3], [sflag:$0x1], $0x80, v6, vm1, $0xb8;
	[tilespmem:$0x1E700] =	vst v63  }
0x7d: {  	v5 =	vadd.s32 @!p0 v8, v5;
	s3 =	simm.s32 @!p0 $0xF00  }
0x7e: {  	[hbm4b:s8+s2] =	stream.indirect_vreg.scatter @!p0 [tilespmem:s3], [sflag:$0x1], $0x80, v6, vm1, $0xb8;
	[tilespmem:$0x1E700] =	vst v63  }
0x7f: {  	s3 =	simm.s32 @!p0 $0x1700  }
0x80: {  	[hbm4b:s9+s2] =	stream.indirect_vreg.scatter @!p0 [tilespmem:s3], [sflag:$0x1], $0x80, v6, vm1, $0xb8;
	[tilespmem:$0x1E700] =	vst v63  }
0x81: {  	s3 =	simm.s32 @!p0 $0x1F00  }
0x82: {  	[hbm4b:s10+s2] =	stream.indirect_vreg.scatter @!p0 [tilespmem:s3], [sflag:$0x1], $0x80, v5, vm1, $0xb8;
	[tilespmem:$0x1E700] =	vst v63  }
0x83: {  	s1 =	sadd.s32 s5, s17;
	s3 =	simm.s32 @!p0 $0x2700  }
0x84: {  	[hbm4b:s8+s2] =	stream.indirect_vreg.scatter @!p0 [tilespmem:s3], [sflag:$0x1], $0x80, v5, vm1, $0xb8;
	[tilespmem:$0x1E700] =	vst v63  }
0x85: {  	s22 =	sadd.s32 s31, s1;
	s0 =	simm.s32 @!p0 $0x2F00  }
0x86: {  	[hbm4b:s9+s2] =	stream.indirect_vreg.scatter @!p0 [tilespmem:s0], [sflag:$0x1], $0x80, v5, vm1, $0xb8;
	[tilespmem:$0x1E700] =	vst v63  }
0x87: {  	s23 =	sshra.s32 s22, $0x4;
	s0 =	sshra.s32 s5, $0x4  }
0x88: {  	s31 =	ssub.s32 s23, s0  }
0x89: {  	p0 =	sne.s32 s31, $0x1  }
.Ltmp4:
0x8a: {  	_ = 	snop;
	(pc) =	sbr.rel @p0 .LBB2_4-.Ltmp4, $2  }
0x8b: {  	_ =	sdelay $0x2  }
0x8c: {  	[dreg:$0xb] =	wrdreg s25  }
0x8d: {  	s1 =	sand.u32 $0xFFFFFFF0, s5;
	s2 =	smulhi.u32 $0x38E38E39, s0;
	s3 =	sshra.s32 s0, $0x1F  }
0x8e: {  	v5 =	vld [tilespmem:s1+$0x480];
	s21 =	smul.u32 $0x38E38E39, s3;
	_ =	sdelay $0x1  }
0x8f: {  	s1 =	sadd.s32 s21, s2  }
0x90: {  	s2 =	sshrl.u32 s1, $0x1F;
	s1 =	sshra.s32 s1, $0x1  }
0x91: {  	s1 =	sadd.s32 s2, s1  }
0x92: {  	s1 =	smul.u32 $0x9, s1;
	v6 =	vshrl.u32 v5, $0x3  }
0x93: {  	v6 =	vmul.u32 $0x30, v6  }
0x94: {  	v5 =	vand.u32 $0x7, v5;
	s1 =	ssub.s32 s0, s1  }
0x95: {  	s2 =	sshll.u32 s1, $0x4;
	v5 =	vor.u32 v5, v6  }
0x96: {  	p0 =	slt.s32 s1, $0x0;
	s1 =	sadd.s32 $0x90, s2;
	v6 =	vperm.xlane v5, v2  }
0x97: {  	s2 =	smov.u32 @p0 s1;
	p0 =	slt.s32 s0, $0x9  }
0x98: {  	s1 =	sshrl.u32 s2, $0x3;
	v6 =	vadd.s32 v3, v6;
	s2 =	simm.s32 @!p0 $0x3  }
0x99: {  	s1 =	smul.u32 $0x6000, s1;
	_ =	swait.ge @!p0 [sflag:s2], $0x3000  }
0x9a: {  	[sflag:s2] =	ssyncset.done @!p0 $0x0  }
0x9b: {  	s1 =	sshra.s32 s1, $0x2;
	[sflag:s2] =	ssyncadd.s32 @!p0 $0xFFFFD000  }
0x9c: {  	v5 =	vperm.xlane v5, v4;
	s24 =	sadd.s32 $0x3700, s1;
	s25 =	rddreg [dreg:$0x0]  }
0x9d: {  	[tilespmem:s24], [sflag:$0x2] =	stream.indirect_vreg.gather [hbm4b:s25+s4], $0x80, v6, vm0, $0xb8;
	[tilespmem:$0x1E700] =	vst v63  }
0x9e: {  	v5 =	vadd.s32 v3, v5;
	s28 =	rddreg [dreg:$0x7];
	s26 =	sadd.s32 $0x3F00, s1  }
0x9f: {  	[tilespmem:s26], [sflag:$0x2] =	stream.indirect_vreg.gather [hbm4b:s28+s4], $0x80, v6, vm0, $0xb8;
	[tilespmem:$0x1E700] =	vst v63  }
0xa0: {  	s6 =	rddreg [dreg:$0x8];
	s29 =	sadd.s32 $0x4700, s1  }
0xa1: {  	[tilespmem:s29], [sflag:$0x2] =	stream.indirect_vreg.gather [hbm4b:s6+s4], $0x80, v6, vm0, $0xb8;
	[tilespmem:$0x1E700] =	vst v63  }
0xa2: {  	s30 =	sadd.s32 $0x4F00, s1  }
0xa3: {  	[tilespmem:s30], [sflag:$0x2] =	stream.indirect_vreg.gather [hbm4b:s25+s4], $0x80, v5, vm0, $0xb8;
	[tilespmem:$0x1E700] =	vst v63  }
0xa4: {  	s31 =	sadd.s32 $0x5700, s1  }
0xa5: {  	[tilespmem:s31], [sflag:$0x2] =	stream.indirect_vreg.gather [hbm4b:s28+s4], $0x80, v5, vm0, $0xb8;
	[tilespmem:$0x1E700] =	vst v63  }
0xa6: {  	p0 =	slt.s32 s0, $0x7;
	s1 =	sadd.s32 $0x5F00, s1  }
0xa7: {  	[tilespmem:s1], [sflag:$0x2] =	stream.indirect_vreg.gather [hbm4b:s6+s4], $0x80, v5, vm0, $0xb8;
	[tilespmem:$0x1E700] =	vst v63  }
0xa8: {  	s1 =	simm.s32 @!p0 $0x2  }
0xa9: {  	s0 =	sadd.s32 @!p0 $0xFFFFFFF9, s0;
	_ =	swait.ge @!p0 [sflag:s1], $0x3000  }
0xaa: {  	s2 =	sshll.u32 @!p0 s0, $0x6;
	[sflag:s1] =	ssyncset.done @!p0 $0x0  }
0xab: {  	[sflag:s1] =	ssyncadd.s32 @!p0 $0xFFFFD000;
	s1 =	sshra.s32 @!p0 s2, $0x2  }
0xac: {  	v5 =	vld @!p0 [tilespmem:s1+$0x480];
	_ =	sdelay $0x4  }
0xad: {  	v6 =	vshrl.u32 @!p0 v5, $0x3  }
0xae: {  	s1 =	smulhi.u32 @!p0 $0x38E38E39, s0;
	v6 =	vmul.u32 @!p0 $0x30, v6  }
0xaf: {  	v7 =	vlaneseq.u32 @!p0;
	v5 =	vand.u32 @!p0 $0x7, v5  }
0xb0: {  	v8 =	vshrl.u32 @!p0 v7, $0x3;
	s1 =	sshrl.u32 @!p0 s1, $0x1;
	v5 =	vor.u32 @!p0 v5, v6;
	v6 =	vand.u32 @!p0 $0x7, v7  }
0xb1: {  	v8 =	vmul.u32 @!p0 $0x8, v8;
	s1 =	smul.u32 @!p0 $0x9, s1;
	v6 =	vperm.xlane @!p0 v5, v6;
	_ =	sdelay $0x1  }
0xb2: {  	s0 =	ssub.s32 @!p0 s0, s1;
	v6 =	vadd.s32 @!p0 v8, v6  }
0xb3: {  	s0 =	smul.u32 @!p0 $0xC000, s0;
	_ =	sdelay $0x1  }
0xb4: {  	s0 =	sshrl.u32 @!p0 s0, $0x2;
	v7 =	vor.u32 @!p0 $0x8, v7  }
0xb5: {  	vm1 =	vmmov @!p0 $0xffff;
	s2 =	simm.s32 @!p0 $0x0;
	s1 =	sadd.s32 @!p0 $0x3700, s0;
	v5 =	vperm.xlane @!p0 v5, v7  }
0xb6: {  	[hbm4b:s10+s2] =	stream.indirect_vreg.scatter @!p0 [tilespmem:s1], [sflag:$0x3], $0x80, v6, vm1, $0xb8;
	[tilespmem:$0x1E700] =	vst v63  }
0xb7: {  	v5 =	vadd.s32 @!p0 v8, v5;
	s1 =	sadd.s32 @!p0 $0x3F00, s0  }
0xb8: {  	[hbm4b:s8+s2] =	stream.indirect_vreg.scatter @!p0 [tilespmem:s1], [sflag:$0x3], $0x80, v6, vm1, $0xb8;
	[tilespmem:$0x1E700] =	vst v63  }
0xb9: {  	s1 =	sadd.s32 @!p0 $0x4700, s0  }
0xba: {  	[hbm4b:s9+s2] =	stream.indirect_vreg.scatter @!p0 [tilespmem:s1], [sflag:$0x3], $0x80, v6, vm1, $0xb8;
	[tilespmem:$0x1E700] =	vst v63  }
0xbb: {  	s1 =	sadd.s32 @!p0 $0x4F00, s0  }
0xbc: {  	[hbm4b:s10+s2] =	stream.indirect_vreg.scatter @!p0 [tilespmem:s1], [sflag:$0x3], $0x80, v5, vm1, $0xb8;
	[tilespmem:$0x1E700] =	vst v63  }
.Ltmp5:
0xbd: {  	_ = 	snop;
	(pc) =	sbr.rel .LBB2_4-.Ltmp5, $4  }
0xbe: {  	s1 =	sadd.s32 @!p0 $0x5700, s0  }
0xbf: {  	[hbm4b:s8+s2] =	stream.indirect_vreg.scatter @!p0 [tilespmem:s1], [sflag:$0x3], $0x80, v5, vm1, $0xb8;
	[tilespmem:$0x1E700] =	vst v63  }
0xc0: {  	s0 =	sadd.s32 @!p0 $0x5F00, s0  }
0xc1: {  	[hbm4b:s9+s2] =	stream.indirect_vreg.scatter @!p0 [tilespmem:s0], [sflag:$0x3], $0x80, v5, vm1, $0xb8;
	[tilespmem:$0x1E700] =	vst v63  }
.LBB2_5:
0xc2: {  	s12 =	rddreg [dreg:$0xb]  }
0xc3: {  	s0 =	sand.u32 $0xF, s12  }
0xc4: {  	p0 =	seq.s32 s0, $0x0  }
0xc5: {  	s1 =	sand.u32 @!p0 $0xFFFFFFF0, s12  }
0xc6: {  	v5 =	vld @!p0 [tilespmem:s1+$0x200];
	_ =	sdelay $0x4  }
0xc7: {  	v6 =	vmov @!p0 s0;
	v7 =	vlaneseq.u32 @!p0;
	v8 =	vbroadcast @!p0 v5, $0x0  }
0xc8: {  	vm1 =	vgt.u32 @!p0 v6, v7  }
0xc9: {  	v5 =	vsel @!p0 vm1, v5, v8  }
0xca: {  	v6 =	vshrl.u32 @!p0 v5, $0x3  }
0xcb: {  	v6 =	vmul.u32 @!p0 $0x30, v6  }
0xcc: {  	v5 =	vand.u32 @!p0 $0x7, v5  }
0xcd: {  	v8 =	vshrl.u32 @!p0 v7, $0x3;
	v5 =	vor.u32 @!p0 v5, v6;
	v6 =	vand.u32 @!p0 $0x7, v7  }
0xce: {  	v8 =	vmul.u32 @!p0 $0x8, v8;
	v6 =	vperm.xlane @!p0 v5, v6;
	_ =	sdelay $0x1  }
0xcf: {  	v6 =	vadd.s32 @!p0 v8, v6;
	_ =	sdelay $0x2  }
0xd0: {  	v7 =	vor.u32 @!p0 $0x8, v7  }
0xd1: {  	s0 =	simm.s32 @!p0 $0x0;
	s1 =	simm.s32 @!p0 $0x700;
	vm1 =	vmmov @!p0 $0xffff;
	v5 =	vperm.xlane @!p0 v5, v7  }
0xd2: {  	[hbm4b:s10+s0] =	stream.indirect_vreg.scatter @!p0 [tilespmem:s1], [sflag:$0x1], $0x80, v6, vm1, $0xb8;
	[tilespmem:$0x1E700] =	vst v63  }
0xd3: {  	v5 =	vadd.s32 @!p0 v8, v5;
	s1 =	simm.s32 @!p0 $0xF00  }
0xd4: {  	[hbm4b:s8+s0] =	stream.indirect_vreg.scatter @!p0 [tilespmem:s1], [sflag:$0x1], $0x80, v6, vm1, $0xb8;
	[tilespmem:$0x1E700] =	vst v63  }
0xd5: {  	s1 =	simm.s32 @!p0 $0x1700  }
0xd6: {  	[hbm4b:s9+s0] =	stream.indirect_vreg.scatter @!p0 [tilespmem:s1], [sflag:$0x1], $0x80, v6, vm1, $0xb8;
	[tilespmem:$0x1E700] =	vst v63  }
0xd7: {  	s1 =	simm.s32 @!p0 $0x1F00  }
0xd8: {  	[hbm4b:s10+s0] =	stream.indirect_vreg.scatter @!p0 [tilespmem:s1], [sflag:$0x1], $0x80, v5, vm1, $0xb8;
	[tilespmem:$0x1E700] =	vst v63  }
0xd9: {  	s1 =	simm.s32 @!p0 $0x2700  }
0xda: {  	[hbm4b:s8+s0] =	stream.indirect_vreg.scatter @!p0 [tilespmem:s1], [sflag:$0x1], $0x80, v5, vm1, $0xb8;
	[tilespmem:$0x1E700] =	vst v63  }
0xdb: {  	s1 =	simm.s32 @!p0 $0x2F00  }
0xdc: {  	[hbm4b:s9+s0] =	stream.indirect_vreg.scatter @!p0 [tilespmem:s1], [sflag:$0x1], $0x80, v5, vm1, $0xb8;
	[tilespmem:$0x1E700] =	vst v63  }
0xdd: {  	s0 =	sand.u32 $0xF, s22  }
0xde: {  	p0 =	seq.s32 s0, $0x0  }
.Ltmp6:
0xdf: {  	_ = 	snop;
	(pc) =	sbr.rel @p0 .LBB2_7-.Ltmp6, $1  }
0xe0: {  	_ =	sdelay $0x3  }
0xe1: {  	s1 =	sand.u32 $0xFFFFFFF0, s22  }
0xe2: {  	v5 =	vld [tilespmem:s1+$0x480];
	_ =	sdelay $0x1  }
0xe3: {  	s2 =	smulhi.u32 $0x38E38E39, s23;
	s3 =	sshra.s32 s23, $0x1F  }
0xe4: {  	s3 =	smul.u32 $0x38E38E39, s3;
	_ =	sdelay $0x1  }
0xe5: {  	v6 =	vmov s0;
	s21 =	sadd.s32 s3, s2;
	v7 =	vbroadcast v5, $0x0  }
0xe6: {  	vm1 =	vgt.u32 v6, v0;
	s2 =	sshrl.u32 s21, $0x1F;
	s0 =	sshra.s32 s21, $0x1  }
0xe7: {  	s0 =	sadd.s32 s2, s0;
	v5 =	vsel vm1, v5, v7  }
0xe8: {  	s0 =	smul.u32 $0x9, s0;
	v6 =	vshrl.u32 v5, $0x3  }
0xe9: {  	v6 =	vmul.u32 $0x30, v6  }
0xea: {  	s0 =	ssub.s32 s23, s0;
	v7 =	vand.u32 $0x7, v5  }
0xeb: {  	s2 =	sshll.u32 s0, $0x4;
	v6 =	vor.u32 v7, v6  }
0xec: {  	p0 =	slt.s32 s0, $0x0;
	s0 =	sadd.s32 $0x90, s2;
	v7 =	vperm.xlane v6, v2  }
0xed: {  	s2 =	smov.u32 @p0 s0;
	p0 =	slt.s32 s23, $0x9  }
0xee: {  	[tilespmem:s1+$0x480] =	vst v5;
	s0 =	sshrl.u32 s2, $0x3;
	s1 =	simm.s32 @!p0 $0x3;
	v7 =	vadd.s32 v3, v7  }
0xef: {  	s0 =	smul.u32 $0x6000, s0;
	_ =	swait.ge @!p0 [sflag:s1], $0x3000  }
0xf0: {  	[sflag:s1] =	ssyncset.done @!p0 $0x0  }
0xf1: {  	s0 =	sshra.s32 s0, $0x2;
	[sflag:s1] =	ssyncadd.s32 @!p0 $0xFFFFD000  }
0xf2: {  	v5 =	vperm.xlane v6, v4;
	s24 =	sadd.s32 $0x3700, s0;
	s25 =	rddreg [dreg:$0x0]  }
0xf3: {  	[tilespmem:s24], [sflag:$0x2] =	stream.indirect_vreg.gather [hbm4b:s25+s4], $0x80, v7, vm0, $0xb8;
	[tilespmem:$0x1E700] =	vst v63  }
0xf4: {  	s28 =	rddreg [dreg:$0x7];
	v5 =	vadd.s32 v3, v5;
	s26 =	sadd.s32 $0x3F00, s0  }
0xf5: {  	[tilespmem:s26], [sflag:$0x2] =	stream.indirect_vreg.gather [hbm4b:s28+s4], $0x80, v7, vm0, $0xb8;
	[tilespmem:$0x1E700] =	vst v63  }
0xf6: {  	s5 =	rddreg [dreg:$0x8];
	s29 =	sadd.s32 $0x4700, s0  }
0xf7: {  	[tilespmem:s29], [sflag:$0x2] =	stream.indirect_vreg.gather [hbm4b:s5+s4], $0x80, v7, vm0, $0xb8;
	[tilespmem:$0x1E700] =	vst v63  }
0xf8: {  	s30 =	sadd.s32 $0x4F00, s0  }
0xf9: {  	[tilespmem:s30], [sflag:$0x2] =	stream.indirect_vreg.gather [hbm4b:s25+s4], $0x80, v5, vm0, $0xb8;
	[tilespmem:$0x1E700] =	vst v63  }
0xfa: {  	s31 =	sadd.s32 $0x5700, s0  }
0xfb: {  	[tilespmem:s31], [sflag:$0x2] =	stream.indirect_vreg.gather [hbm4b:s28+s4], $0x80, v5, vm0, $0xb8;
	[tilespmem:$0x1E700] =	vst v63  }
0xfc: {  	p0 =	slt.s32 s23, $0x7;
	s0 =	sadd.s32 $0x5F00, s0  }
0xfd: {  	[tilespmem:s0], [sflag:$0x2] =	stream.indirect_vreg.gather [hbm4b:s5+s4], $0x80, v5, vm0, $0xb8;
	[tilespmem:$0x1E700] =	vst v63  }
0xfe: {  	s0 =	simm.s32 @!p0 $0x2  }
0xff: {  	s1 =	sadd.s32 @!p0 $0xFFFFFFF9, s23;
	_ =	swait.ge @!p0 [sflag:s0], $0x3000  }
0x100: {  	s2 =	sshll.u32 @!p0 s1, $0x6;
	[sflag:s0] =	ssyncset.done @!p0 $0x0  }
0x101: {  	[sflag:s0] =	ssyncadd.s32 @!p0 $0xFFFFD000;
	s0 =	sshra.s32 @!p0 s2, $0x2  }
0x102: {  	v5 =	vld @!p0 [tilespmem:s0+$0x480];
	_ =	sdelay $0x4  }
0x103: {  	v6 =	vshrl.u32 @!p0 v5, $0x3  }
0x104: {  	s0 =	smulhi.u32 @!p0 $0x38E38E39, s1;
	v6 =	vmul.u32 @!p0 $0x30, v6  }
0x105: {  	v7 =	vlaneseq.u32 @!p0;
	v5 =	vand.u32 @!p0 $0x7, v5  }
0x106: {  	v8 =	vshrl.u32 @!p0 v7, $0x3;
	s0 =	sshrl.u32 @!p0 s0, $0x1;
	v5 =	vor.u32 @!p0 v5, v6;
	v6 =	vand.u32 @!p0 $0x7, v7  }
0x107: {  	v8 =	vmul.u32 @!p0 $0x8, v8;
	s0 =	smul.u32 @!p0 $0x9, s0;
	v6 =	vperm.xlane @!p0 v5, v6;
	_ =	sdelay $0x1  }
0x108: {  	s0 =	ssub.s32 @!p0 s1, s0;
	v6 =	vadd.s32 @!p0 v8, v6  }
0x109: {  	s0 =	smul.u32 @!p0 $0xC000, s0;
	_ =	sdelay $0x1  }
0x10a: {  	s0 =	sshrl.u32 @!p0 s0, $0x2;
	v7 =	vor.u32 @!p0 $0x8, v7  }
0x10b: {  	vm1 =	vmmov @!p0 $0xffff;
	s2 =	simm.s32 @!p0 $0x0;
	s1 =	sadd.s32 @!p0 $0x3700, s0;
	v5 =	vperm.xlane @!p0 v5, v7  }
0x10c: {  	[hbm4b:s10+s2] =	stream.indirect_vreg.scatter @!p0 [tilespmem:s1], [sflag:$0x3], $0x80, v6, vm1, $0xb8;
	[tilespmem:$0x1E700] =	vst v63  }
0x10d: {  	v5 =	vadd.s32 @!p0 v8, v5;
	s1 =	sadd.s32 @!p0 $0x3F00, s0  }
0x10e: {  	[hbm4b:s8+s2] =	stream.indirect_vreg.scatter @!p0 [tilespmem:s1], [sflag:$0x3], $0x80, v6, vm1, $0xb8;
	[tilespmem:$0x1E700] =	vst v63  }
0x10f: {  	s1 =	sadd.s32 @!p0 $0x4700, s0  }
0x110: {  	[hbm4b:s9+s2] =	stream.indirect_vreg.scatter @!p0 [tilespmem:s1], [sflag:$0x3], $0x80, v6, vm1, $0xb8;
	[tilespmem:$0x1E700] =	vst v63  }
0x111: {  	s1 =	sadd.s32 @!p0 $0x4F00, s0  }
0x112: {  	[hbm4b:s10+s2] =	stream.indirect_vreg.scatter @!p0 [tilespmem:s1], [sflag:$0x3], $0x80, v5, vm1, $0xb8;
	[tilespmem:$0x1E700] =	vst v63  }
0x113: {  	s1 =	sadd.s32 @!p0 $0x5700, s0  }
0x114: {  	[hbm4b:s8+s2] =	stream.indirect_vreg.scatter @!p0 [tilespmem:s1], [sflag:$0x3], $0x80, v5, vm1, $0xb8;
	[tilespmem:$0x1E700] =	vst v63  }
0x115: {  	s0 =	sadd.s32 @!p0 $0x5F00, s0  }
0x116: {  	[hbm4b:s9+s2] =	stream.indirect_vreg.scatter @!p0 [tilespmem:s0], [sflag:$0x3], $0x80, v5, vm1, $0xb8;
	[tilespmem:$0x1E700] =	vst v63  }
.LBB2_7:
0x117: {  	s0 =	sadd.s32 $0xF, s22  }
0x118: {  	s19 =	sshra.s32 s0, $0x4  }
0x119: {  	p0 =	sgt.s32 s19, $0x7;
	s0 =	smov.u32 s19  }
0x11a: {  	s0 =	simm.s32 @!p0 $0x7  }
0x11b: {  	s1 =	sadd.s32 $0xFFFFFFF9, s0  }
0x11c: {  	p0 =	sge.s32 s1, s19  }
.Ltmp7:
0x11d: {  	_ = 	snop;
	(pc) =	sbr.rel @p0 .LBB2_11-.Ltmp7, $1  }
0x11e: {  	_ =	sdelay $0x3  }
0x11f: {  	s11 =	simm.s32 $0x2  }
0x120: {  	s2 =	sshll.u32 s0, $0x6;
	_ =	swait.ge [sflag:s11], $0x3000  }
0x121: {  	s2 =	sshra.s32 s2, $0x2;
	[sflag:s11] =	ssyncset.done $0x0  }
0x122: {  	s2 =	sadd.s32 $0x410, s2;
	[sflag:s11] =	ssyncadd.s32 $0xFFFFD000  }
0x123: {  	v5 =	vld [tilespmem:s2+$0x0];
	_ =	sdelay $0x4  }
0x124: {  	v6 =	vshrl.u32 v5, $0x3  }
0x125: {  	v6 =	vmul.u32 $0x30, v6  }
0x126: {  	v5 =	vand.u32 $0x7, v5  }
0x127: {  	s3 =	smulhi.u32 $0x38E38E39, s1;
	v5 =	vor.u32 v5, v6  }
0x128: {  	v6 =	vperm.xlane v5, v2  }
0x129: {  	s5 =	smul.u32 $0xC000, s0;
	s3 =	sshrl.u32 s3, $0x1  }
0x12a: {  	s3 =	smul.u32 $0xFFF94000, s3;
	v6 =	vadd.s32 v3, v6  }
0x12b: {  	s5 =	sshra.s32 s5, $0x2  }
0x12c: {  	s7 =	sadd.s32 $0x3700, s5;
	s3 =	sshra.s32 s3, $0x2  }
0x12d: {  	s3 =	sadd.s32 s3, s7  }
0x12e: {  	s29 =	ssub.s32 s19, s0;
	s25 =	sadd.s32 $0xFFFEB000, s3  }
0x12f: {  	v5 =	vperm.xlane v5, v4;
	[hbm4b:s10+s4] =	stream.indirect_vreg.scatter [tilespmem:s25], [sflag:$0x3], $0x80, v6, vm0, $0xb8;
	[tilespmem:$0x1E700] =	vst v63  }
0x130: {  	s0 =	sadd.s32 $0x7, s29;
	s26 =	sadd.s32 $0xFFFEB800, s3  }
0x131: {  	v5 =	vadd.s32 v3, v5;
	[hbm4b:s8+s4] =	stream.indirect_vreg.scatter [tilespmem:s26], [sflag:$0x3], $0x80, v6, vm0, $0xb8;
	[tilespmem:$0x1E700] =	vst v63  }
0x132: {  	p0 =	sne.s32 s0, $0x1;
	s28 =	sadd.s32 $0xFFFEC000, s3  }
0x133: {  	[hbm4b:s9+s4] =	stream.indirect_vreg.scatter [tilespmem:s28], [sflag:$0x3], $0x80, v6, vm0, $0xb8;
	[tilespmem:$0x1E700] =	vst v63  }
.Ltmp8:
0x134: {  	s6 =	sadd.s32 $0x1, s1;
	(pc) =	sbr.rel @!p0 .LBB2_10-.Ltmp8, $4  }
0x135: {  	s0 =	sadd.s32 $0xFFFFFFFF, s0;
	s2 =	sadd.s32 $0x10, s2;
	s30 =	sadd.s32 $0xFFFEC800, s3  }
0x136: {  	[hbm4b:s10+s4] =	stream.indirect_vreg.scatter [tilespmem:s30], [sflag:$0x3], $0x80, v5, vm0, $0xb8;
	[tilespmem:$0x1E700] =	vst v63  }
0x137: {  	s7 =	sadd.s32 $0x3000, s7;
	s31 =	sadd.s32 $0xFFFED000, s3;
	s5 =	sadd.s32 $0xFFFED800, s3  }
0x138: {  	[hbm4b:s8+s4] =	stream.indirect_vreg.scatter [tilespmem:s31], [sflag:$0x3], $0x80, v5, vm0, $0xb8;
	[tilespmem:$0x1E700] =	vst v63  }
.LBB2_9:
0x139: {  	[hbm4b:s9+s4] =	stream.indirect_vreg.scatter [tilespmem:s5], [sflag:$0x3], $0x80, v5, vm0, $0xb8;
	[tilespmem:$0x1E700] =	vst v63  }
0x13a: {  	p0 =	sne.s32 s0, $0x1;
	s0 =	sadd.s32 $0xFFFFFFFF, s0;
	_ =	swait.ge [sflag:s11], $0x3000  }
0x13b: {  	[sflag:s11] =	ssyncset.done $0x0  }
0x13c: {  	[sflag:s11] =	ssyncadd.s32 $0xFFFFD000  }
0x13d: {  	v5 =	vld [tilespmem:s2+$0x0];
	_ =	sdelay $0x4  }
0x13e: {  	v6 =	vshrl.u32 v5, $0x3  }
0x13f: {  	v6 =	vmul.u32 $0x30, v6  }
0x140: {  	v5 =	vand.u32 $0x7, v5  }
0x141: {  	s1 =	smulhi.u32 $0x38E38E39, s6;
	v5 =	vor.u32 v5, v6  }
0x142: {  	v6 =	vperm.xlane v5, v2;
	v5 =	vperm.xlane v5, v4  }
0x143: {  	s1 =	sshrl.u32 s1, $0x1  }
0x144: {  	s1 =	smul.u32 $0xFFF94000, s1;
	v6 =	vadd.s32 v3, v6;
	_ =	sdelay $0x1  }
0x145: {  	s1 =	sshra.s32 s1, $0x2  }
0x146: {  	s1 =	sadd.s32 s1, s7  }
0x147: {  	s3 =	sadd.s32 $0xFFFEB000, s1  }
0x148: {  	[hbm4b:s10+s4] =	stream.indirect_vreg.scatter [tilespmem:s3], [sflag:$0x3], $0x80, v6, vm0, $0xb8;
	[tilespmem:$0x1E700] =	vst v63  }
0x149: {  	v5 =	vadd.s32 v3, v5;
	s3 =	sadd.s32 $0xFFFEB800, s1  }
0x14a: {  	[hbm4b:s8+s4] =	stream.indirect_vreg.scatter [tilespmem:s3], [sflag:$0x3], $0x80, v6, vm0, $0xb8;
	[tilespmem:$0x1E700] =	vst v63  }
0x14b: {  	s3 =	sadd.s32 $0xFFFEC000, s1  }
0x14c: {  	[hbm4b:s9+s4] =	stream.indirect_vreg.scatter [tilespmem:s3], [sflag:$0x3], $0x80, v6, vm0, $0xb8;
	[tilespmem:$0x1E700] =	vst v63  }
.Ltmp9:
0x14d: {  	s3 =	sadd.s32 $0xFFFEC800, s1;
	(pc) =	sbr.rel @p0 .LBB2_9-.Ltmp9, $4  }
0x14e: {  	[hbm4b:s10+s4] =	stream.indirect_vreg.scatter [tilespmem:s3], [sflag:$0x3], $0x80, v5, vm0, $0xb8;
	[tilespmem:$0x1E700] =	vst v63  }
0x14f: {  	s2 =	sadd.s32 $0x10, s2;
	s3 =	sadd.s32 $0xFFFED000, s1  }
0x150: {  	[hbm4b:s8+s4] =	stream.indirect_vreg.scatter [tilespmem:s3], [sflag:$0x3], $0x80, v5, vm0, $0xb8;
	[tilespmem:$0x1E700] =	vst v63  }
0x151: {  	s6 =	sadd.s32 $0x1, s6;
	s7 =	sadd.s32 $0x3000, s7;
	s5 =	sadd.s32 $0xFFFED800, s1  }
.LBB2_10:
0x152: {  	_ = 	snop  }
.Ltmp10:
0x153: {  	_ = 	snop;
	(pc) =	sbr.rel .LBB2_13-.Ltmp10, $3  }
0x154: {  	_ =	sdelay $0x1  }
0x155: {  	[hbm4b:s9+s4] =	stream.indirect_vreg.scatter [tilespmem:s5], [sflag:$0x3], $0x80, v5, vm0, $0xb8;
	[tilespmem:$0x1E700] =	vst v63  }
0x156: {  	s0 =	smin.u32 s19, $0x9;
	s1 =	rddreg [dreg:$0xa]  }
.LBB2_11:
0x157: {  	p0 =	slt.s32 s19, $0x1  }
.Ltmp11:
0x158: {  	_ = 	snop;
	(pc) =	sbr.rel @p0 .LBB2_16-.Ltmp11, $2  }
0x159: {  	_ =	sdelay $0x2  }
0x15a: {  	s11 =	simm.s32 $0x2;
	s1 =	rddreg [dreg:$0xa]  }
0x15b: {  	s0 =	smin.u32 s19, $0x9  }
.LBB2_13:
0x15c: {  	p0 =	seq.s32 s0, $0x1  }
.Ltmp12:
0x15d: {  	_ = 	snop;
	(pc) =	sbr.rel @p0 .LBB2_15-.Ltmp12, $3  }
0x15e: {  	_ =	sdelay $0x1  }
0x15f: {  	_ =	swait.ge [sflag:s16], $0x3000  }
0x160: {  	s0 =	sadd.s32 $0xFFFFFFFF, s0;
	[sflag:s16] =	ssyncset.done $0x0  }
.LBB2_14:
0x161: {  	p0 =	seq.s32 s0, $0x1;
	s0 =	sadd.s32 $0xFFFFFFFF, s0;
	[sflag:s16] =	ssyncadd.s32 $0xFFFFD000  }
.Ltmp13:
0x162: {  	(pc) =	sbr.rel @!p0 .LBB2_14-.Ltmp13, $3  }
0x163: {  	_ =	sdelay $0x1  }
0x164: {  	_ =	swait.ge [sflag:s16], $0x3000  }
0x165: {  	[sflag:s16] =	ssyncset.done $0x0  }
.LBB2_15:
0x166: {  	[sflag:s16] =	ssyncadd.s32 $0xFFFFD000  }
.LBB2_16:
0x167: {  	s0 =	sadd.s32 $0xF, s12  }
0x168: {  	s0 =	sshra.s32 s0, $0x4  }
0x169: {  	p0 =	sgt.s32 s0, $0x0  }
.Ltmp14:
0x16a: {  	_ = 	snop;
	(pc) =	sbr.rel @!p0 .LBB2_20-.Ltmp14, $1  }
0x16b: {  	_ =	sdelay $0x3  }
0x16c: {  	p0 =	sne.s32 s0, $0x1  }
.Ltmp15:
0x16d: {  	_ = 	snop;
	(pc) =	sbr.rel @!p0 .LBB2_19-.Ltmp15, $3  }
0x16e: {  	_ =	sdelay $0x1  }
0x16f: {  	_ =	swait.ge [sflag:s15], $0x3000  }
0x170: {  	s0 =	sadd.s32 $0xFFFFFFFF, s0;
	[sflag:s15] =	ssyncset.done $0x0  }
.LBB2_18:
0x171: {  	p0 =	sne.s32 s0, $0x1;
	s0 =	sadd.s32 $0xFFFFFFFF, s0;
	[sflag:s15] =	ssyncadd.s32 $0xFFFFD000  }
.Ltmp16:
0x172: {  	(pc) =	sbr.rel @p0 .LBB2_18-.Ltmp16, $3  }
0x173: {  	_ =	sdelay $0x1  }
0x174: {  	_ =	swait.ge [sflag:s15], $0x3000  }
0x175: {  	[sflag:s15] =	ssyncset.done $0x0  }
.Ltmp17:
0x176: {  	_ = 	snop;
	(pc) =	sbr.rel .LBB2_19-.Ltmp17, $1  }
0x177: {  	_ =	sdelay $0x3  }
.LBB2_21:
0x178: {  	_ =	sfence.sel $0x180000  }
0x179: {  	[bflag:$0x0] =	sbarrier.arrive $0xFFFF  }
0x17a: {  	_ =	strace $0x90000047  }
0x17b: {  	s0 =	stileid.u32;
	[bflag:$0x2] =	sbarrier.arrive $0xFFFF  }
0x17c: {  	p0 =	sne.s32 s0, $0x0;
	s0 =	rddreg [dreg:$0x3]  }
0x17d: {  	s0 =	sadd.s32 @!p0 $0x100000, s0  }
0x17e: {  	[sflag:s0] =	ssyncadd.tile.s32 @!p0 $0x1;
	_ =	shalt  }
.Lfunc_end2:
_tile_overlayer_lowered:
.L_overlay_start_2:
0x17f: {  	(tag) =	ssettag $0x2  }
0x180: {  	s0 =	rddreg [dreg:$0x0];
	s2 =	stileid.u32  }
0x181: {  	s1 =	rddreg [dreg:$0x1];
	p0 =	sne.s32 s2, $0x0  }
0x182: {  	s3 =	rddreg [dreg:$0x2];
	[bflag:$0x3] =	sbarrier.arrive $0xFFFF;
	s2 =	simm.s32 @!p0 $0x1C04  }
0x183: {  	[timem:s3], [sflag:s2] =	dma.local @!p0 [hbm:s0], s1  }
0x184: {  	s0 =	simm.s32 @!p0 $0x4  }
0x185: {  	_ =	swait.ge @!p0 [sflag:s0], s1  }
0x186: {  	s1 =	ssub.s32 @!p0 $0x0, s1;
	[sflag:s0] =	ssyncset.done @!p0 $0x0  }
0x187: {  	[sflag:s0] =	ssyncadd.s32 @!p0 s1  }
0x188: {  	[bflag:$0x3] =	sbarrier.arrive $0xFFFF  }
0x189: {  	_ =	shalt  }

</sc_bundles>
